<compile_context>
chip_gen: v7x
topology: tpu7x:2x2x1
jax: 0.10.2.dev20260603
libtpu: 0.0.44.dev20260713+nightly
codegen_flags: <defaults>
</compile_context>

<pallas_src>
import functools

import jax
import jax.numpy as jnp
from jax import lax
from jax.experimental import pallas as pl
from jax.experimental.pallas import tpu as pltpu
from jax.experimental.pallas import tpu_sc as plsc

TOP_K = 100
ITEM = 100000
D = 64
B = 1024

BLK = 2048
NBLK = 49
NPAD = BLK * NBLK
CHUNK = 128
NCHUNK = NPAD // CHUNK
SUBBLK = BLK // CHUNK

NWORK = 32
ROWS_PER = B // NWORK
HOTCAP = 128
CAP = 256

NEG = -3.0e38
INT_MIN = -2147483648


def _k1_body(x_ref, kt_ref, logits_ref, m_ref):
    j = pl.program_id(0)
    x = x_ref[...]
    kt = kt_ref[...]
    lg = lax.dot_general(x, kt, (((1,), (1,)), ((), ())),
                         preferred_element_type=jnp.float32)
    gid = j * BLK + lax.broadcasted_iota(jnp.int32, (B, BLK), 1)
    lg = jnp.where(gid < ITEM, lg, NEG)
    logits_ref[...] = lg
    for s in range(SUBBLK):
        m_ref[0, :, s:s + 1] = jnp.max(lg[:, s * CHUNK:(s + 1) * CHUNK],
                                       axis=1, keepdims=True)


def _k1(x, ktpad):
    return pl.pallas_call(
        _k1_body,
        grid=(NBLK,),
        in_specs=[pl.BlockSpec((B, D), lambda j: (0, 0)),
                  pl.BlockSpec((BLK, D), lambda j: (j, 0))],
        out_specs=[pl.BlockSpec((B, BLK), lambda j: (0, j)),
                   pl.BlockSpec((1, B, SUBBLK), lambda j: (j, 0, 0))],
        out_shape=[jax.ShapeDtypeStruct((B, NPAD), jnp.float32),
                   jax.ShapeDtypeStruct((NBLK, B, SUBBLK), jnp.float32)],
    )(x, ktpad)


def _k2_body(m_ref, t_ref):
    m = m_ref[...]
    mb = lax.bitcast_convert_type(m, jnp.int32)
    key = jnp.where(mb >= 0, mb, INT_MIN - mb)

    lo = jnp.min(key, axis=1, keepdims=True)
    hi = jnp.max(key, axis=1, keepdims=True) + 1

    def body(_, carry):
        lo, hi = carry
        mid = (lo & hi) + ((lo ^ hi) >> 1)
        cnt = jnp.sum((key >= mid).astype(jnp.int32), axis=1, keepdims=True)
        ok = cnt >= TOP_K
        return jnp.where(ok, mid, lo), jnp.where(ok, hi, mid)

    lo, hi = lax.fori_loop(0, 34, body, (lo, hi))
    tb = jnp.where(lo >= 0, lo, INT_MIN - lo)
    t_ref[...] = lax.bitcast_convert_type(tb, jnp.float32)


def _k2(m):
    return pl.pallas_call(
        _k2_body,
        out_shape=jax.ShapeDtypeStruct((B, 1), jnp.float32),
    )(m)


def _k3(logits2, m, t):
    mesh = plsc.VectorSubcoreMesh(core_axis_name="c", subcore_axis_name="s",
                                  num_cores=2, num_subcores=16)

    @functools.partial(
        pl.kernel,
        out_type=[jax.ShapeDtypeStruct((B * CAP,), jnp.float32),
                  jax.ShapeDtypeStruct((B * CAP,), jnp.int32)],
        mesh=mesh,
        compiler_params=pltpu.CompilerParams(needs_layout_passes=False),
        scratch_types=[
            pltpu.VMEM((ROWS_PER * NCHUNK,), jnp.float32),
            pltpu.VMEM((ROWS_PER,), jnp.float32),
            pltpu.VMEM((HOTCAP,), jnp.int32),
            pltpu.VMEM((HOTCAP, CHUNK), jnp.float32),
            pltpu.VMEM((ROWS_PER * CAP,), jnp.float32),
            pltpu.VMEM((ROWS_PER * CAP,), jnp.int32),
            pltpu.SemaphoreType.DMA,
        ],
    )
    def k3(logits_ref, m_ref, t_ref, cv_out, ci_out,
           m_all, t_v, ids_v, dest_v, cv_all, ci_all, sem):
        c = lax.axis_index("c")
        s = lax.axis_index("s")
        wid = s * 2 + c
        base = wid * ROWS_PER

        pltpu.sync_copy(t_ref.at[pl.ds(base, ROWS_PER)], t_v)
        span = pl.ds(base * NCHUNK, ROWS_PER * NCHUNK)
        pltpu.sync_copy(m_ref.at[span], m_all)

        lanes = lax.iota(jnp.int32, 16)
        negv = jnp.full((16,), NEG, jnp.float32)
        zerov = jnp.zeros((16,), jnp.int32)

        def fill(i, _):
            cv_all[pl.ds(i * 16, 16)] = negv
            ci_all[pl.ds(i * 16, 16)] = zerov
            return 0
        lax.fori_loop(0, ROWS_PER * CAP // 16, fill, 0)
        def per_row(r, _):
            grow = base + r
            tvec = plsc.load_gather(t_v, [jnp.full((16,), r, jnp.int32)])

            padv = jnp.full((16,), grow * NCHUNK, jnp.int32)
            def fill_ids(q, _):
                ids_v[pl.ds(q * 16, 16)] = padv
                return 0
            lax.fori_loop(0, HOTCAP // 16, fill_ids, 0)

            def scan(j, nhot):
                mv = m_all[pl.ds(r * NCHUNK + j * 16, 16)]
                msk = mv >= tvec
                cid = grow * NCHUNK + j * 16 + lanes
                off = jnp.minimum(nhot, HOTCAP - 16)
                plsc.store_compressed(ids_v.at[pl.ds(off, 16)], cid, mask=msk)
                return nhot + plsc.all_reduce_population_count(msk)[0]
            nhot = lax.fori_loop(0, NCHUNK // 16, scan, jnp.int32(0))
            nhot = jnp.minimum(nhot, HOTCAP)

            pltpu.async_copy(logits_ref.at[ids_v], dest_v, sem).wait()

            def filt(h, ncand):
                gidv = plsc.load_gather(ids_v, [jnp.full((16,), h, jnp.int32)])
                ebase = (gidv - grow * NCHUNK) * CHUNK
                def sub(v, ncand):
                    vals = dest_v.at[h][pl.ds(v * 16, 16)]
                    iv = ebase + v * 16 + lanes
                    mk = vals >= tvec
                    off = jnp.minimum(ncand, CAP - 16)
                    plsc.store_compressed(
                        cv_all.at[pl.ds(r * CAP + off, 16)], vals, mask=mk)
                    plsc.store_compressed(
                        ci_all.at[pl.ds(r * CAP + off, 16)], iv, mask=mk)
                    return ncand + plsc.all_reduce_population_count(mk)[0]
                return lax.fori_loop(0, CHUNK // 16, sub, ncand)
            lax.fori_loop(0, nhot, filt, jnp.int32(0))
            return 0

        lax.fori_loop(0, ROWS_PER, per_row, 0)

        pltpu.sync_copy(cv_all, cv_out.at[pl.ds(base * CAP, ROWS_PER * CAP)])
        pltpu.sync_copy(ci_all, ci_out.at[pl.ds(base * CAP, ROWS_PER * CAP)])

    return k3(logits2, m, t)


def _k4_body(cv_ref, ci_ref, out_ref, cvs):
    cvs[...] = cv_ref[...]
    ci = ci_ref[...]
    lane = lax.broadcasted_iota(jnp.int32, (B, 128), 1)

    def body(i, res):
        cv = cvs[...]
        m = jnp.max(cv, axis=1, keepdims=True)
        isel = jnp.min(jnp.where(cv == m, ci, 2 ** 30),
                       axis=1, keepdims=True)
        res = jnp.where(lane == i, isel.astype(jnp.float32), res)
        kill = (cv == m) & (ci == isel)
        cvs[...] = jnp.where(kill, NEG, cv)
        return res

    res = lax.fori_loop(0, TOP_K, body,
                        jnp.zeros((B, 128), jnp.float32))
    out_ref[...] = res[:, :TOP_K]


def _k4(cv, ci):
    return pl.pallas_call(
        _k4_body,
        out_shape=jax.ShapeDtypeStruct((B, TOP_K), jnp.float32),
        scratch_shapes=[pltpu.VMEM((B, CAP), jnp.float32)],
    )(cv, ci)


def kernel(inputs0, inputs1, kernel):
    del inputs1
    ktpad = jnp.pad(kernel, ((0, NPAD - ITEM), (0, 0)))
    logits, m3 = _k1(inputs0, ktpad)
    m = m3.transpose(1, 0, 2).reshape(B, NCHUNK)
    t = _k2(m)
    cv, ci = _k3(logits.reshape(B * NCHUNK, CHUNK), m.reshape(-1), t.reshape(B))
    return _k4(cv.reshape(B, CAP), ci.reshape(B, CAP))

# --- scband reference (transcript-rebuilt; emitter-appended) ---
"""Pipeline reference for scband-sample-layer-1314259993031 (READ-ONLY COPY).

The authoritative reference and input builder live on the scoring server;
editing this copy changes nothing except your own understanding.
"""

import jax, jax.numpy as jnp
import numpy as np

TOP_K = 100
ITEM_NUM = 100000
EMBED_DIM = 64
BATCH = 1024


def setup_inputs(seed: int = 0) -> dict:
    key = jax.random.key(seed)
    k1, k2, k3 = jax.random.split(key, 3)
    inputs0 = jax.random.normal(k1, (BATCH, EMBED_DIM), dtype=jnp.float32)
    inputs1 = jax.random.randint(k2, (BATCH,), 0, ITEM_NUM, dtype=jnp.int64)
    # learned item embedding table, uniform(-0.1, 0.1) per kernel_initializer
    kernel = jax.random.uniform(k3, (ITEM_NUM, EMBED_DIM), dtype=jnp.float32, minval=-0.1, maxval=0.1)
    return {"inputs0": inputs0, "inputs1": inputs1, "kernel": kernel}


def reference(inputs0, inputs1, kernel):
    # is_training=False -> predict_output branch of SampleLayer.call
    # inputs1 is unused in the predict branch (matches tf.cond false branch)
    logits_predict = jnp.matmul(inputs0, kernel.T)  # [B, item_num]
    yhat_predict = jax.nn.softmax(logits_predict, axis=-1)
    _, indices = jax.lax.top_k(yhat_predict, TOP_K)  # sorted=True semantics
    return indices.astype(jnp.float32)

if __name__ == "__main__":
    import jax
    _d = setup_inputs()
    print(jax.jit(kernel)(*tuple(_d.values())))

</pallas_src>

<mosaic_0001>
#map = affine_map<(d0, d1) -> (0, 0)>
#map1 = affine_map<(d0, d1) -> (0)>
module attributes {stable_mosaic.version = 14 : i64} {
  func.func @k3(%arg0: i32, %arg1: i32, %arg2: memref<802816x128xf32, #tpu.memory_space<hbm>>, %arg3: memref<802816xf32, #tpu.memory_space<hbm>>, %arg4: memref<1024xf32, #tpu.memory_space<hbm>>, %arg5: memref<262144xf32, #tpu.memory_space<hbm>>, %arg6: memref<262144xi32, #tpu.memory_space<hbm>>, %arg7: memref<25088xf32, #tpu.memory_space<vmem>>, %arg8: memref<32xf32, #tpu.memory_space<vmem>>, %arg9: memref<128xi32, #tpu.memory_space<vmem>>, %arg10: memref<128x128xf32, #tpu.memory_space<vmem>>, %arg11: memref<8192xf32, #tpu.memory_space<vmem>>, %arg12: memref<8192xi32, #tpu.memory_space<vmem>>, %arg13: memref<!tpu.dma_semaphore, #tpu.memory_space<semaphore_mem>>) attributes {dimension_semantics = [#tpu.dimension_semantics<core_parallel>, #tpu.dimension_semantics<subcore_parallel>], iteration_bounds = array<i64: 2, 16>, scalar_prefetch = 0 : i64, scratch_operands = 7 : i64, tpu.core_type = #tpu.core_type<sc_vector_subcore>, window_params = [{transform_indices = #map}, {transform_indices = #map1}, {transform_indices = #map1}, {transform_indices = #map1}, {transform_indices = #map1}]} {
    %mul3A = arith.constant 2 : i32
    %mul3A_0 = arith.muli %arg1, %mul3A : i32
    %add3A = arith.addi %mul3A_0, %arg0 : i32
    %mul3A_1 = arith.constant 32 : i32
    %mul3A_2 = arith.muli %add3A, %mul3A_1 : i32
    "tpu.region"() ({
      %run_scoped3A = tpu.sem_alloc : memref<!tpu.dma_semaphore, #tpu.memory_space<semaphore_mem>>
      %dma_start3A = tpu.memref_slice %arg4[%mul3A_2] : memref<1024xf32, #tpu.memory_space<hbm>> -> memref<32xf32, #tpu.memory_space<hbm>>
      %dma_start3A_25 = tpu.memref_slice %arg4[%mul3A_2] : memref<1024xf32, #tpu.memory_space<hbm>> -> memref<32xf32, #tpu.memory_space<hbm>>
      tpu.enqueue_dma source(%dma_start3A_25 : memref<32xf32, #tpu.memory_space<hbm>>) target(%arg8 : memref<32xf32, #tpu.memory_space<vmem>>) target_semaphore(%run_scoped3A : memref<!tpu.dma_semaphore, #tpu.memory_space<semaphore_mem>>)
      %dma_wait3A = tpu.memref_slice %arg4[%mul3A_2] : memref<1024xf32, #tpu.memory_space<hbm>> -> memref<32xf32, #tpu.memory_space<hbm>>
      %dma_wait3A_26 = tpu.memref_slice %arg4[%mul3A_2] : memref<1024xf32, #tpu.memory_space<hbm>> -> memref<32xf32, #tpu.memory_space<hbm>>
      tpu.wait_dma2 semaphore(%run_scoped3A : memref<!tpu.dma_semaphore, #tpu.memory_space<semaphore_mem>>) src(%dma_wait3A_26 : memref<32xf32, #tpu.memory_space<hbm>>) dst(%arg8 : memref<32xf32, #tpu.memory_space<vmem>>)
      tpu.yield
    }) : () -> ()
    %mul3A_3 = arith.constant 784 : i32
    %mul3A_4 = arith.muli %mul3A_2, %mul3A_3 : i32
    "tpu.region"() ({
      %run_scoped3A = tpu.sem_alloc : memref<!tpu.dma_semaphore, #tpu.memory_space<semaphore_mem>>
      %dma_start3A = tpu.memref_slice %arg3[%mul3A_4] : memref<802816xf32, #tpu.memory_space<hbm>> -> memref<25088xf32, #tpu.memory_space<hbm>>
      %dma_start3A_25 = tpu.memref_slice %arg3[%mul3A_4] : memref<802816xf32, #tpu.memory_space<hbm>> -> memref<25088xf32, #tpu.memory_space<hbm>>
      tpu.enqueue_dma source(%dma_start3A_25 : memref<25088xf32, #tpu.memory_space<hbm>>) target(%arg7 : memref<25088xf32, #tpu.memory_space<vmem>>) target_semaphore(%run_scoped3A : memref<!tpu.dma_semaphore, #tpu.memory_space<semaphore_mem>>)
      %dma_wait3A = tpu.memref_slice %arg3[%mul3A_4] : memref<802816xf32, #tpu.memory_space<hbm>> -> memref<25088xf32, #tpu.memory_space<hbm>>
      %dma_wait3A_26 = tpu.memref_slice %arg3[%mul3A_4] : memref<802816xf32, #tpu.memory_space<hbm>> -> memref<25088xf32, #tpu.memory_space<hbm>>
      tpu.wait_dma2 semaphore(%run_scoped3A : memref<!tpu.dma_semaphore, #tpu.memory_space<semaphore_mem>>) src(%dma_wait3A_26 : memref<25088xf32, #tpu.memory_space<hbm>>) dst(%arg7 : memref<25088xf32, #tpu.memory_space<vmem>>)
      tpu.yield
    }) : () -> ()
    %iota3A = tpu.iota {dimensions = array<i32: 0>} : vector<16xi32>
    %broadcast_in_dim3A = arith.constant -3.000000e+38 : f32
    %broadcast_in_dim3A_5 = vector.broadcast %broadcast_in_dim3A : f32 to vector<16xf32>
    %broadcast_in_dim3A_6 = arith.constant 0 : i32
    %broadcast_in_dim3A_7 = vector.broadcast %broadcast_in_dim3A_6 : i32 to vector<16xi32>
    %scan3A = arith.constant 0 : i32
    %scan3A_8 = arith.constant 0 : i32
    %scan3A_9 = arith.constant 512 : i32
    %scan3A_10 = arith.addi %scan3A_8, %scan3A_9 : i32
    %scan3A_11 = arith.constant 1 : i32
    %scan3A_12 = scf.for %scan3A_25 = %scan3A_8 to %scan3A_10 step %scan3A_11 iter_args(%scan3A_26 = %scan3A) -> (i32)  : i32 {
      %mul3A_27 = arith.constant 16 : i32
      %mul3A_28 = arith.muli %scan3A_25, %mul3A_27 : i32
      %swap3A = arith.index_cast %mul3A_28 : i32 to index
      %swap3A_29 = tpu.vector_load %arg11[%swap3A] {strides = array<i32>} : memref<8192xf32, #tpu.memory_space<vmem>>, vector<16xf32>,
      tpu.vector_store %arg11[%swap3A], %broadcast_in_dim3A_5 {strides = array<i32>} : memref<8192xf32, #tpu.memory_space<vmem>>, vector<16xf32>,
      %mul3A_30 = arith.constant 16 : i32
      %mul3A_31 = arith.muli %scan3A_25, %mul3A_30 : i32
      %swap3A_32 = arith.index_cast %mul3A_31 : i32 to index
      %swap3A_33 = tpu.vector_load %arg12[%swap3A_32] {strides = array<i32>} : memref<8192xi32, #tpu.memory_space<vmem>>, vector<16xi32>,
      tpu.vector_store %arg12[%swap3A_32], %broadcast_in_dim3A_7 {strides = array<i32>} : memref<8192xi32, #tpu.memory_space<vmem>>, vector<16xi32>,
      %scan3A_34 = arith.constant 0 : i32
      scf.yield %scan3A_34 : i32
    }
    %scan3A_13 = arith.constant 512 : i32
    %scan3A_14 = arith.constant 0 : i32
    %scan3A_15 = arith.constant 0 : i32
    %scan3A_16 = arith.constant 32 : i32
    %scan3A_17 = arith.addi %scan3A_15, %scan3A_16 : i32
    %scan3A_18 = arith.constant 1 : i32
    %scan3A_19 = scf.for %scan3A_25 = %scan3A_15 to %scan3A_17 step %scan3A_18 iter_args(%scan3A_26 = %scan3A_14) -> (i32)  : i32 {
      %add3A_27 = arith.addi %mul3A_2, %scan3A_25 : i32
      %broadcast_in_dim3A_28 = vector.broadcast %scan3A_25 : i32 to vector<16xi32>
      %gather3A = tpu.vector_load_idx %arg8[%broadcast_in_dim3A_28] : memref<32xf32, #tpu.memory_space<vmem>>[vector<16xi32>], vector<16xf32>,
      %mul3A_29 = arith.constant 784 : i32
      %mul3A_30 = arith.muli %add3A_27, %mul3A_29 : i32
      %broadcast_in_dim3A_31 = vector.broadcast %mul3A_30 : i32 to vector<16xi32>
      %scan3A_32 = arith.constant 0 : i32
      %scan3A_33 = arith.constant 0 : i32
      %scan3A_34 = arith.constant 8 : i32
      %scan3A_35 = arith.addi %scan3A_33, %scan3A_34 : i32
      %scan3A_36 = arith.constant 1 : i32
      %scan3A_37 = scf.for %scan3A_63 = %scan3A_33 to %scan3A_35 step %scan3A_36 iter_args(%scan3A_64 = %scan3A_32) -> (i32)  : i32 {
        %mul3A_65 = arith.constant 16 : i32
        %mul3A_66 = arith.muli %scan3A_63, %mul3A_65 : i32
        %swap3A = arith.index_cast %mul3A_66 : i32 to index
        %swap3A_67 = tpu.vector_load %arg9[%swap3A] {strides = array<i32>} : memref<128xi32, #tpu.memory_space<vmem>>, vector<16xi32>,
        tpu.vector_store %arg9[%swap3A], %broadcast_in_dim3A_31 {strides = array<i32>} : memref<128xi32, #tpu.memory_space<vmem>>, vector<16xi32>,
        %scan3A_68 = arith.constant 0 : i32
        scf.yield %scan3A_68 : i32
      }
      %scan3A_38 = arith.constant 8 : i32
      %scan3A_39 = arith.constant 0 : i32
      %scan3A_40 = arith.constant 0 : i32
      %scan3A_41 = arith.constant 49 : i32
      %scan3A_42 = arith.addi %scan3A_40, %scan3A_41 : i32
      %scan3A_43 = arith.constant 1 : i32
      %scan3A_44 = scf.for %scan3A_63 = %scan3A_40 to %scan3A_42 step %scan3A_43 iter_args(%scan3A_64 = %scan3A_39) -> (i32)  : i32 {
        %mul3A_65 = arith.constant 784 : i32
        %mul3A_66 = arith.muli %scan3A_25, %mul3A_65 : i32
        %mul3A_67 = arith.constant 16 : i32
        %mul3A_68 = arith.muli %scan3A_63, %mul3A_67 : i32
        %add3A_69 = arith.addi %mul3A_66, %mul3A_68 : i32
        %get3A = arith.index_cast %add3A_69 : i32 to index
        %get3A_70 = tpu.vector_load %arg7[%get3A] {strides = array<i32>} : memref<25088xf32, #tpu.memory_space<vmem>>, vector<16xf32>,
        %ge3A = arith.cmpf oge, %get3A_70, %gather3A : vector<16xf32>
        %mul3A_71 = arith.constant 784 : i32
        %mul3A_72 = arith.muli %add3A_27, %mul3A_71 : i32
        %mul3A_73 = arith.constant 16 : i32
        %mul3A_74 = arith.muli %scan3A_63, %mul3A_73 : i32
        %add3A_75 = arith.addi %mul3A_72, %mul3A_74 : i32
        %add3A_76 = vector.broadcast %add3A_75 : i32 to vector<16xi32>
        %add3A_77 = arith.addi %add3A_76, %iota3A : vector<16xi32>
        %min3A_78 = arith.constant 112 : i32
        %min3A_79 = arith.minsi %scan3A_64, %min3A_78 : i32
        %swap3A = arith.index_cast %min3A_79 : i32 to index
        %swap3A_80 = tpu.vector_load %arg9[%swap3A] masked %ge3A {strides = array<i32>} : memref<128xi32, #tpu.memory_space<vmem>>, vector<16xi32>, vector<16xi1>
        tpu.vector_store %arg9[%swap3A], %add3A_77 masked %ge3A {strides = array<i32>} : memref<128xi32, #tpu.memory_space<vmem>>, vector<16xi32>, vector<16xi1>
        %all_reduce_population_count3A = tpu.all_reduce %ge3A {dim = 0 : i64, kind = #tpu.reduction_kind<sum>} : vector<16xi1> -> vector<16xi32>
        %slice3A = vector.extract_strided_slice %all_reduce_population_count3A {offsets = [0], sizes = [1], strides = [1]} : vector<16xi32> to vector<1xi32>
        %squeeze3A = vector.extract %slice3A[0] : i32 from vector<1xi32>
        %add3A_81 = arith.addi %scan3A_64, %squeeze3A : i32
        scf.yield %add3A_81 : i32
      }
      %scan3A_45 = arith.constant 49 : i32
      %min3A = arith.constant 128 : i32
      %min3A_46 = arith.minsi %scan3A_44, %min3A : i32
      %dma_start3A = arith.constant 0 : i32
      %dma_start3A_47 = arith.constant 0 : i32
      %dma_start3A_48 = tpu.memref_slice %arg2[%dma_start3A, %dma_start3A_47] : memref<802816x128xf32, #tpu.memory_space<hbm>> -> memref<802816x128xf32, #tpu.memory_space<hbm>>
      tpu.enqueue_indirect_dma source(%dma_start3A_48 : memref<802816x128xf32, #tpu.memory_space<hbm>>) target(%arg10 : memref<128x128xf32, #tpu.memory_space<vmem>>) offsets(%arg9 : memref<128xi32, #tpu.memory_space<vmem>>) semaphore(%arg13 : memref<!tpu.dma_semaphore, #tpu.memory_space<semaphore_mem>>)
      %dma_wait3A = arith.constant 0 : i32
      %dma_wait3A_49 = arith.constant 0 : i32
      %dma_wait3A_50 = tpu.memref_slice %arg2[%dma_wait3A, %dma_wait3A_49] : memref<802816x128xf32, #tpu.memory_space<hbm>> -> memref<802816x128xf32, #tpu.memory_space<hbm>>
      tpu.wait_indirect_dma semaphore(%arg13 : memref<!tpu.dma_semaphore, #tpu.memory_space<semaphore_mem>>) src(%dma_wait3A_50 : memref<802816x128xf32, #tpu.memory_space<hbm>>) dst(%arg10 : memref<128x128xf32, #tpu.memory_space<vmem>>)
      %while3A = arith.constant 0 : i32
      %while3A_51 = arith.constant 0 : i32
      %while3A_52 = arith.subi %min3A_46, %while3A : i32
      %while3A_53 = arith.addi %while3A, %while3A_52 : i32
      %while3A_54 = arith.constant 1 : i32
      %while3A_55 = arith.divsi %while3A_52, %while3A_54 : i32
      %while3A_56 = arith.muli %while3A_55, %while3A_54 : i32
      %while3A_57 = arith.addi %while3A, %while3A_56 : i32
      %while3A_58 = arith.constant 1 : i32
      %while3A_59 = scf.for %while3A_63 = %while3A to %while3A_57 step %while3A_58 iter_args(%while3A_64 = %while3A_51) -> (i32)  : i32 {
        %broadcast_in_dim3A_65 = vector.broadcast %while3A_63 : i32 to vector<16xi32>
        %gather3A_66 = tpu.vector_load_idx %arg9[%broadcast_in_dim3A_65] : memref<128xi32, #tpu.memory_space<vmem>>[vector<16xi32>], vector<16xi32>,
        %mul3A_67 = arith.constant 784 : i32
        %mul3A_68 = arith.muli %add3A_27, %mul3A_67 : i32
        %sub3A = vector.broadcast %mul3A_68 : i32 to vector<16xi32>
        %sub3A_69 = arith.subi %gather3A_66, %sub3A : vector<16xi32>
        %mul3A_70 = arith.constant 128 : i32
        %mul3A_71 = vector.broadcast %mul3A_70 : i32 to vector<16xi32>
        %mul3A_72 = arith.muli %sub3A_69, %mul3A_71 : vector<16xi32>
        %scan3A_73 = arith.constant 0 : i32
        %scan3A_74 = arith.constant 8 : i32
        %scan3A_75 = arith.addi %scan3A_73, %scan3A_74 : i32
        %scan3A_76 = arith.constant 1 : i32
        %scan3A_77 = scf.for %scan3A_79 = %scan3A_73 to %scan3A_75 step %scan3A_76 iter_args(%scan3A_80 = %while3A_64) -> (i32)  : i32 {
          %mul3A_81 = arith.constant 16 : i32
          %mul3A_82 = arith.muli %scan3A_79, %mul3A_81 : i32
          %get3A = arith.constant 0 : i32
          %get3A_83 = tpu.memref_slice %arg10[%while3A_63, %get3A] : memref<128x128xf32, #tpu.memory_space<vmem>> -> memref<1x128xf32, #tpu.memory_space<vmem>>
          %get3A_84 = tpu.memref_squeeze %get3A_83 : memref<1x128xf32, #tpu.memory_space<vmem>> -> memref<128xf32, #tpu.memory_space<vmem>>
          %get3A_85 = arith.index_cast %mul3A_82 : i32 to index
          %get3A_86 = tpu.vector_load %get3A_84[%get3A_85] {strides = array<i32>} : memref<128xf32, #tpu.memory_space<vmem>>, vector<16xf32>,
          %mul3A_87 = arith.constant 16 : i32
          %mul3A_88 = arith.muli %scan3A_79, %mul3A_87 : i32
          %add3A_89 = vector.broadcast %mul3A_88 : i32 to vector<16xi32>
          %add3A_90 = arith.addi %mul3A_72, %add3A_89 : vector<16xi32>
          %add3A_91 = arith.addi %add3A_90, %iota3A : vector<16xi32>
          %ge3A = arith.cmpf oge, %get3A_86, %gather3A : vector<16xf32>
          %min3A_92 = arith.constant 240 : i32
          %min3A_93 = arith.minsi %scan3A_80, %min3A_92 : i32
          %mul3A_94 = arith.constant 256 : i32
          %mul3A_95 = arith.muli %scan3A_25, %mul3A_94 : i32
          %add3A_96 = arith.addi %mul3A_95, %min3A_93 : i32
          %swap3A = arith.index_cast %add3A_96 : i32 to index
          %swap3A_97 = tpu.vector_load %arg11[%swap3A] masked %ge3A {strides = array<i32>} : memref<8192xf32, #tpu.memory_space<vmem>>, vector<16xf32>, vector<16xi1>
          tpu.vector_store %arg11[%swap3A], %get3A_86 masked %ge3A {strides = array<i32>} : memref<8192xf32, #tpu.memory_space<vmem>>, vector<16xf32>, vector<16xi1>
          %mul3A_98 = arith.constant 256 : i32
          %mul3A_99 = arith.muli %scan3A_25, %mul3A_98 : i32
          %add3A_100 = arith.addi %mul3A_99, %min3A_93 : i32
          %swap3A_101 = arith.index_cast %add3A_100 : i32 to index
          %swap3A_102 = tpu.vector_load %arg12[%swap3A_101] masked %ge3A {strides = array<i32>} : memref<8192xi32, #tpu.memory_space<vmem>>, vector<16xi32>, vector<16xi1>
          tpu.vector_store %arg12[%swap3A_101], %add3A_91 masked %ge3A {strides = array<i32>} : memref<8192xi32, #tpu.memory_space<vmem>>, vector<16xi32>, vector<16xi1>
          %all_reduce_population_count3A = tpu.all_reduce %ge3A {dim = 0 : i64, kind = #tpu.reduction_kind<sum>} : vector<16xi1> -> vector<16xi32>
          %slice3A = vector.extract_strided_slice %all_reduce_population_count3A {offsets = [0], sizes = [1], strides = [1]} : vector<16xi32> to vector<1xi32>
          %squeeze3A = vector.extract %slice3A[0] : i32 from vector<1xi32>
          %add3A_103 = arith.addi %scan3A_80, %squeeze3A : i32
          scf.yield %add3A_103 : i32
        }
        %scan3A_78 = arith.constant 8 : i32
        scf.yield %scan3A_77 : i32
      }
      %while3A_60 = arith.constant 1 : i32
      %while3A_61 = scf.for %while3A_63 = %while3A_57 to %while3A_53 step %while3A_60 iter_args(%while3A_64 = %while3A_59) -> (i32)  : i32 {
        %broadcast_in_dim3A_65 = vector.broadcast %while3A_63 : i32 to vector<16xi32>
        %gather3A_66 = tpu.vector_load_idx %arg9[%broadcast_in_dim3A_65] : memref<128xi32, #tpu.memory_space<vmem>>[vector<16xi32>], vector<16xi32>,
        %mul3A_67 = arith.constant 784 : i32
        %mul3A_68 = arith.muli %add3A_27, %mul3A_67 : i32
        %sub3A = vector.broadcast %mul3A_68 : i32 to vector<16xi32>
        %sub3A_69 = arith.subi %gather3A_66, %sub3A : vector<16xi32>
        %mul3A_70 = arith.constant 128 : i32
        %mul3A_71 = vector.broadcast %mul3A_70 : i32 to vector<16xi32>
        %mul3A_72 = arith.muli %sub3A_69, %mul3A_71 : vector<16xi32>
        %scan3A_73 = arith.constant 0 : i32
        %scan3A_74 = arith.constant 8 : i32
        %scan3A_75 = arith.addi %scan3A_73, %scan3A_74 : i32
        %scan3A_76 = arith.constant 1 : i32
        %scan3A_77 = scf.for %scan3A_79 = %scan3A_73 to %scan3A_75 step %scan3A_76 iter_args(%scan3A_80 = %while3A_64) -> (i32)  : i32 {
          %mul3A_81 = arith.constant 16 : i32
          %mul3A_82 = arith.muli %scan3A_79, %mul3A_81 : i32
          %get3A = arith.constant 0 : i32
          %get3A_83 = tpu.memref_slice %arg10[%while3A_63, %get3A] : memref<128x128xf32, #tpu.memory_space<vmem>> -> memref<1x128xf32, #tpu.memory_space<vmem>>
          %get3A_84 = tpu.memref_squeeze %get3A_83 : memref<1x128xf32, #tpu.memory_space<vmem>> -> memref<128xf32, #tpu.memory_space<vmem>>
          %get3A_85 = arith.index_cast %mul3A_82 : i32 to index
          %get3A_86 = tpu.vector_load %get3A_84[%get3A_85] {strides = array<i32>} : memref<128xf32, #tpu.memory_space<vmem>>, vector<16xf32>,
          %mul3A_87 = arith.constant 16 : i32
          %mul3A_88 = arith.muli %scan3A_79, %mul3A_87 : i32
          %add3A_89 = vector.broadcast %mul3A_88 : i32 to vector<16xi32>
          %add3A_90 = arith.addi %mul3A_72, %add3A_89 : vector<16xi32>
          %add3A_91 = arith.addi %add3A_90, %iota3A : vector<16xi32>
          %ge3A = arith.cmpf oge, %get3A_86, %gather3A : vector<16xf32>
          %min3A_92 = arith.constant 240 : i32
          %min3A_93 = arith.minsi %scan3A_80, %min3A_92 : i32
          %mul3A_94 = arith.constant 256 : i32
          %mul3A_95 = arith.muli %scan3A_25, %mul3A_94 : i32
          %add3A_96 = arith.addi %mul3A_95, %min3A_93 : i32
          %swap3A = arith.index_cast %add3A_96 : i32 to index
          %swap3A_97 = tpu.vector_load %arg11[%swap3A] masked %ge3A {strides = array<i32>} : memref<8192xf32, #tpu.memory_space<vmem>>, vector<16xf32>, vector<16xi1>
          tpu.vector_store %arg11[%swap3A], %get3A_86 masked %ge3A {strides = array<i32>} : memref<8192xf32, #tpu.memory_space<vmem>>, vector<16xf32>, vector<16xi1>
          %mul3A_98 = arith.constant 256 : i32
          %mul3A_99 = arith.muli %scan3A_25, %mul3A_98 : i32
          %add3A_100 = arith.addi %mul3A_99, %min3A_93 : i32
          %swap3A_101 = arith.index_cast %add3A_100 : i32 to index
          %swap3A_102 = tpu.vector_load %arg12[%swap3A_101] masked %ge3A {strides = array<i32>} : memref<8192xi32, #tpu.memory_space<vmem>>, vector<16xi32>, vector<16xi1>
          tpu.vector_store %arg12[%swap3A_101], %add3A_91 masked %ge3A {strides = array<i32>} : memref<8192xi32, #tpu.memory_space<vmem>>, vector<16xi32>, vector<16xi1>
          %all_reduce_population_count3A = tpu.all_reduce %ge3A {dim = 0 : i64, kind = #tpu.reduction_kind<sum>} : vector<16xi1> -> vector<16xi32>
          %slice3A = vector.extract_strided_slice %all_reduce_population_count3A {offsets = [0], sizes = [1], strides = [1]} : vector<16xi32> to vector<1xi32>
          %squeeze3A = vector.extract %slice3A[0] : i32 from vector<1xi32>
          %add3A_103 = arith.addi %scan3A_80, %squeeze3A : i32
          scf.yield %add3A_103 : i32
        }
        %scan3A_78 = arith.constant 8 : i32
        scf.yield %scan3A_77 : i32
      }
      %scan3A_62 = arith.constant 0 : i32
      scf.yield %scan3A_62 : i32
    }
    %scan3A_20 = arith.constant 32 : i32
    %mul3A_21 = arith.constant 256 : i32
    %mul3A_22 = arith.muli %mul3A_2, %mul3A_21 : i32
    "tpu.region"() ({
      %run_scoped3A = tpu.sem_alloc : memref<!tpu.dma_semaphore, #tpu.memory_space<semaphore_mem>>
      %dma_start3A = tpu.memref_slice %arg5[%mul3A_22] : memref<262144xf32, #tpu.memory_space<hbm>> -> memref<8192xf32, #tpu.memory_space<hbm>>
      %dma_start3A_25 = tpu.memref_slice %arg5[%mul3A_22] : memref<262144xf32, #tpu.memory_space<hbm>> -> memref<8192xf32, #tpu.memory_space<hbm>>
      tpu.enqueue_dma source(%arg11 : memref<8192xf32, #tpu.memory_space<vmem>>) target(%dma_start3A_25 : memref<8192xf32, #tpu.memory_space<hbm>>) target_semaphore(%run_scoped3A : memref<!tpu.dma_semaphore, #tpu.memory_space<semaphore_mem>>)
      %dma_wait3A = tpu.memref_slice %arg5[%mul3A_22] : memref<262144xf32, #tpu.memory_space<hbm>> -> memref<8192xf32, #tpu.memory_space<hbm>>
      %dma_wait3A_26 = tpu.memref_slice %arg5[%mul3A_22] : memref<262144xf32, #tpu.memory_space<hbm>> -> memref<8192xf32, #tpu.memory_space<hbm>>
      tpu.wait_dma2 semaphore(%run_scoped3A : memref<!tpu.dma_semaphore, #tpu.memory_space<semaphore_mem>>) src(%arg11 : memref<8192xf32, #tpu.memory_space<vmem>>) dst(%dma_wait3A_26 : memref<8192xf32, #tpu.memory_space<hbm>>)
      tpu.yield
    }) : () -> ()
    %mul3A_23 = arith.constant 256 : i32
    %mul3A_24 = arith.muli %mul3A_2, %mul3A_23 : i32
    "tpu.region"() ({
      %run_scoped3A = tpu.sem_alloc : memref<!tpu.dma_semaphore, #tpu.memory_space<semaphore_mem>>
      %dma_start3A = tpu.memref_slice %arg6[%mul3A_24] : memref<262144xi32, #tpu.memory_space<hbm>> -> memref<8192xi32, #tpu.memory_space<hbm>>
      %dma_start3A_25 = tpu.memref_slice %arg6[%mul3A_24] : memref<262144xi32, #tpu.memory_space<hbm>> -> memref<8192xi32, #tpu.memory_space<hbm>>
      tpu.enqueue_dma source(%arg12 : memref<8192xi32, #tpu.memory_space<vmem>>) target(%dma_start3A_25 : memref<8192xi32, #tpu.memory_space<hbm>>) target_semaphore(%run_scoped3A : memref<!tpu.dma_semaphore, #tpu.memory_space<semaphore_mem>>)
      %dma_wait3A = tpu.memref_slice %arg6[%mul3A_24] : memref<262144xi32, #tpu.memory_space<hbm>> -> memref<8192xi32, #tpu.memory_space<hbm>>
      %dma_wait3A_26 = tpu.memref_slice %arg6[%mul3A_24] : memref<262144xi32, #tpu.memory_space<hbm>> -> memref<8192xi32, #tpu.memory_space<hbm>>
      tpu.wait_dma2 semaphore(%run_scoped3A : memref<!tpu.dma_semaphore, #tpu.memory_space<semaphore_mem>>) src(%arg12 : memref<8192xi32, #tpu.memory_space<vmem>>) dst(%dma_wait3A_26 : memref<8192xi32, #tpu.memory_space<hbm>>)
      tpu.yield
    }) : () -> ()
    return
  }
}

module attributes {stable_mosaic.version = 14 : i64} {
  func.func @_k1_body(%arg0: i32, %arg1: memref<1024x64xf32, #tpu.memory_space<vmem>>, %arg2: memref<2048x64xf32, #tpu.memory_space<vmem>>, %arg3: memref<1024x2048xf32, #tpu.memory_space<vmem>>, %arg4: memref<1x1024x16xf32, #tpu.memory_space<vmem>>) attributes {dimension_semantics = [#tpu.dimension_semantics<arbitrary>], iteration_bounds = array<i64: 49>, scalar_prefetch = 0 : i64, scratch_operands = 0 : i64, tpu.core_type = #tpu.core_type<tc>, window_params = [{pipeline_mode = #tpu.pipeline_mode<synchronous>, transform_indices = @transform_0, window_bounds = array<i64: 1024, 64>}, {transform_indices = @transform_1, window_bounds = array<i64: 2048, 64>}, {transform_indices = @transform_2, window_bounds = array<i64: 1024, 2048>}, {transform_indices = @transform_3, window_bounds = array<i64: 1, 1024, 16>}]} {
    %get3A = arith.constant 0 : index
    %get3A_0 = arith.constant 0 : index
    %get3A_1 = vector.load %arg1[%get3A, %get3A_0] : memref<1024x64xf32, #tpu.memory_space<vmem>>, vector<1024x64xf32>
    %get3A_2 = arith.constant 0 : index
    %get3A_3 = arith.constant 0 : index
    %get3A_4 = vector.load %arg2[%get3A_2, %get3A_3] : memref<2048x64xf32, #tpu.memory_space<vmem>>, vector<2048x64xf32>
    %dot_general3A = arith.constant dense<0.000000e+00> : vector<1024x2048xf32>
    %dot_general3A_5 = tpu.matmul %get3A_1, %get3A_4, %dot_general3A {dimension_numbers = #tpu.dot_dimension_numbers<[1], [1], [0], [0], [0, 0, 1, 0], [], []>, transpose_lhs_hint = false} : vector<1024x64xf32>, vector<2048x64xf32>, vector<1024x2048xf32> -> vector<1024x2048xf32>
    %mul3A = arith.constant 2048 : i32
    %mul3A_6 = arith.muli %arg0, %mul3A : i32
    %iota3A = tpu.iota {dimensions = array<i32: 1>} : vector<1024x2048xi32>
    %add3A = vector.broadcast %mul3A_6 : i32 to vector<1024x2048xi32>
    %add3A_7 = arith.addi %add3A, %iota3A : vector<1024x2048xi32>
    %lt3A = arith.constant 100000 : i32
    %lt3A_8 = vector.broadcast %lt3A : i32 to vector<1024x2048xi32>
    %lt3A_9 = arith.cmpi slt, %add3A_7, %lt3A_8 : vector<1024x2048xi32>
    %jit3A = arith.constant -3.000000e+38 : f32
    %broadcast_in_dim3A = vector.broadcast %jit3A : f32 to vector<1024x2048xf32>
    %select_n3A = arith.select %lt3A_9, %dot_general3A_5, %broadcast_in_dim3A : vector<1024x2048xi1>, vector<1024x2048xf32>
    %swap3A = arith.constant 0 : index
    %swap3A_10 = arith.constant 0 : index
    %swap3A_11 = vector.load %arg3[%swap3A, %swap3A_10] : memref<1024x2048xf32, #tpu.memory_space<vmem>>, vector<1024x2048xf32>
    tpu.vector_store %arg3[%swap3A, %swap3A_10], %select_n3A {strides = array<i32>} : memref<1024x2048xf32, #tpu.memory_space<vmem>>, vector<1024x2048xf32>,
    %slice3A = vector.extract_strided_slice %select_n3A {offsets = [0, 0], sizes = [1024, 128], strides = [1, 1]} : vector<1024x2048xf32> to vector<1024x128xf32>
    %reduce_max3A = arith.constant dense<0xFF800000> : vector<1024xf32>
    %reduce_max3A_12 = vector.multi_reduction <maximumf>, %slice3A, %reduce_max3A [1] : vector<1024x128xf32> to vector<1024xf32>
    %broadcast_in_dim3A_13 = vector.shape_cast %reduce_max3A_12 : vector<1024xf32> to vector<1024x1xf32>
    %swap3A_14 = arith.constant 0 : index
    %swap3A_15 = arith.constant 0 : index
    %swap3A_16 = arith.constant 0 : index
    %swap3A_17 = vector.load %arg4[%swap3A_14, %swap3A_15, %swap3A_16] : memref<1x1024x16xf32, #tpu.memory_space<vmem>>, vector<1x1024x1xf32>
    %swap3A_18 = vector.shape_cast %swap3A_17 : vector<1x1024x1xf32> to vector<1024x1xf32>
    %swap3A_19 = vector.shape_cast %broadcast_in_dim3A_13 : vector<1024x1xf32> to vector<1x1024x1xf32>
    tpu.vector_store %arg4[%swap3A_14, %swap3A_15, %swap3A_16], %swap3A_19 {strides = array<i32>} : memref<1x1024x16xf32, #tpu.memory_space<vmem>>, vector<1x1024x1xf32>,
    %slice3A_20 = vector.extract_strided_slice %select_n3A {offsets = [0, 128], sizes = [1024, 128], strides = [1, 1]} : vector<1024x2048xf32> to vector<1024x128xf32>
    %reduce_max3A_21 = arith.constant dense<0xFF800000> : vector<1024xf32>
    %reduce_max3A_22 = vector.multi_reduction <maximumf>, %slice3A_20, %reduce_max3A_21 [1] : vector<1024x128xf32> to vector<1024xf32>
    %broadcast_in_dim3A_23 = vector.shape_cast %reduce_max3A_22 : vector<1024xf32> to vector<1024x1xf32>
    %swap3A_24 = arith.constant 0 : index
    %swap3A_25 = arith.constant 0 : index
    %swap3A_26 = arith.constant 1 : index
    %swap3A_27 = vector.load %arg4[%swap3A_24, %swap3A_25, %swap3A_26] : memref<1x1024x16xf32, #tpu.memory_space<vmem>>, vector<1x1024x1xf32>
    %swap3A_28 = vector.shape_cast %swap3A_27 : vector<1x1024x1xf32> to vector<1024x1xf32>
    %swap3A_29 = vector.shape_cast %broadcast_in_dim3A_23 : vector<1024x1xf32> to vector<1x1024x1xf32>
    tpu.vector_store %arg4[%swap3A_24, %swap3A_25, %swap3A_26], %swap3A_29 {strides = array<i32>} : memref<1x1024x16xf32, #tpu.memory_space<vmem>>, vector<1x1024x1xf32>,
    %slice3A_30 = vector.extract_strided_slice %select_n3A {offsets = [0, 256], sizes = [1024, 128], strides = [1, 1]} : vector<1024x2048xf32> to vector<1024x128xf32>
    %reduce_max3A_31 = arith.constant dense<0xFF800000> : vector<1024xf32>
    %reduce_max3A_32 = vector.multi_reduction <maximumf>, %slice3A_30, %reduce_max3A_31 [1] : vector<1024x128xf32> to vector<1024xf32>
    %broadcast_in_dim3A_33 = vector.shape_cast %reduce_max3A_32 : vector<1024xf32> to vector<1024x1xf32>
    %swap3A_34 = arith.constant 0 : index
    %swap3A_35 = arith.constant 0 : index
    %swap3A_36 = arith.constant 2 : index
    %swap3A_37 = vector.load %arg4[%swap3A_34, %swap3A_35, %swap3A_36] : memref<1x1024x16xf32, #tpu.memory_space<vmem>>, vector<1x1024x1xf32>
    %swap3A_38 = vector.shape_cast %swap3A_37 : vector<1x1024x1xf32> to vector<1024x1xf32>
    %swap3A_39 = vector.shape_cast %broadcast_in_dim3A_33 : vector<1024x1xf32> to vector<1x1024x1xf32>
    tpu.vector_store %arg4[%swap3A_34, %swap3A_35, %swap3A_36], %swap3A_39 {strides = array<i32>} : memref<1x1024x16xf32, #tpu.memory_space<vmem>>, vector<1x1024x1xf32>,
    %slice3A_40 = vector.extract_strided_slice %select_n3A {offsets = [0, 384], sizes = [1024, 128], strides = [1, 1]} : vector<1024x2048xf32> to vector<1024x128xf32>
    %reduce_max3A_41 = arith.constant dense<0xFF800000> : vector<1024xf32>
    %reduce_max3A_42 = vector.multi_reduction <maximumf>, %slice3A_40, %reduce_max3A_41 [1] : vector<1024x128xf32> to vector<1024xf32>
    %broadcast_in_dim3A_43 = vector.shape_cast %reduce_max3A_42 : vector<1024xf32> to vector<1024x1xf32>
    %swap3A_44 = arith.constant 0 : index
    %swap3A_45 = arith.constant 0 : index
    %swap3A_46 = arith.constant 3 : index
    %swap3A_47 = vector.load %arg4[%swap3A_44, %swap3A_45, %swap3A_46] : memref<1x1024x16xf32, #tpu.memory_space<vmem>>, vector<1x1024x1xf32>
    %swap3A_48 = vector.shape_cast %swap3A_47 : vector<1x1024x1xf32> to vector<1024x1xf32>
    %swap3A_49 = vector.shape_cast %broadcast_in_dim3A_43 : vector<1024x1xf32> to vector<1x1024x1xf32>
    tpu.vector_store %arg4[%swap3A_44, %swap3A_45, %swap3A_46], %swap3A_49 {strides = array<i32>} : memref<1x1024x16xf32, #tpu.memory_space<vmem>>, vector<1x1024x1xf32>,
    %slice3A_50 = vector.extract_strided_slice %select_n3A {offsets = [0, 512], sizes = [1024, 128], strides = [1, 1]} : vector<1024x2048xf32> to vector<1024x128xf32>
    %reduce_max3A_51 = arith.constant dense<0xFF800000> : vector<1024xf32>
    %reduce_max3A_52 = vector.multi_reduction <maximumf>, %slice3A_50, %reduce_max3A_51 [1] : vector<1024x128xf32> to vector<1024xf32>
    %broadcast_in_dim3A_53 = vector.shape_cast %reduce_max3A_52 : vector<1024xf32> to vector<1024x1xf32>
    %swap3A_54 = arith.constant 0 : index
    %swap3A_55 = arith.constant 0 : index
    %swap3A_56 = arith.constant 4 : index
    %swap3A_57 = vector.load %arg4[%swap3A_54, %swap3A_55, %swap3A_56] : memref<1x1024x16xf32, #tpu.memory_space<vmem>>, vector<1x1024x1xf32>
    %swap3A_58 = vector.shape_cast %swap3A_57 : vector<1x1024x1xf32> to vector<1024x1xf32>
    %swap3A_59 = vector.shape_cast %broadcast_in_dim3A_53 : vector<1024x1xf32> to vector<1x1024x1xf32>
    tpu.vector_store %arg4[%swap3A_54, %swap3A_55, %swap3A_56], %swap3A_59 {strides = array<i32>} : memref<1x1024x16xf32, #tpu.memory_space<vmem>>, vector<1x1024x1xf32>,
    %slice3A_60 = vector.extract_strided_slice %select_n3A {offsets = [0, 640], sizes = [1024, 128], strides = [1, 1]} : vector<1024x2048xf32> to vector<1024x128xf32>
    %reduce_max3A_61 = arith.constant dense<0xFF800000> : vector<1024xf32>
    %reduce_max3A_62 = vector.multi_reduction <maximumf>, %slice3A_60, %reduce_max3A_61 [1] : vector<1024x128xf32> to vector<1024xf32>
    %broadcast_in_dim3A_63 = vector.shape_cast %reduce_max3A_62 : vector<1024xf32> to vector<1024x1xf32>
    %swap3A_64 = arith.constant 0 : index
    %swap3A_65 = arith.constant 0 : index
    %swap3A_66 = arith.constant 5 : index
    %swap3A_67 = vector.load %arg4[%swap3A_64, %swap3A_65, %swap3A_66] : memref<1x1024x16xf32, #tpu.memory_space<vmem>>, vector<1x1024x1xf32>
    %swap3A_68 = vector.shape_cast %swap3A_67 : vector<1x1024x1xf32> to vector<1024x1xf32>
    %swap3A_69 = vector.shape_cast %broadcast_in_dim3A_63 : vector<1024x1xf32> to vector<1x1024x1xf32>
    tpu.vector_store %arg4[%swap3A_64, %swap3A_65, %swap3A_66], %swap3A_69 {strides = array<i32>} : memref<1x1024x16xf32, #tpu.memory_space<vmem>>, vector<1x1024x1xf32>,
    %slice3A_70 = vector.extract_strided_slice %select_n3A {offsets = [0, 768], sizes = [1024, 128], strides = [1, 1]} : vector<1024x2048xf32> to vector<1024x128xf32>
    %reduce_max3A_71 = arith.constant dense<0xFF800000> : vector<1024xf32>
    %reduce_max3A_72 = vector.multi_reduction <maximumf>, %slice3A_70, %reduce_max3A_71 [1] : vector<1024x128xf32> to vector<1024xf32>
    %broadcast_in_dim3A_73 = vector.shape_cast %reduce_max3A_72 : vector<1024xf32> to vector<1024x1xf32>
    %swap3A_74 = arith.constant 0 : index
    %swap3A_75 = arith.constant 0 : index
    %swap3A_76 = arith.constant 6 : index
    %swap3A_77 = vector.load %arg4[%swap3A_74, %swap3A_75, %swap3A_76] : memref<1x1024x16xf32, #tpu.memory_space<vmem>>, vector<1x1024x1xf32>
    %swap3A_78 = vector.shape_cast %swap3A_77 : vector<1x1024x1xf32> to vector<1024x1xf32>
    %swap3A_79 = vector.shape_cast %broadcast_in_dim3A_73 : vector<1024x1xf32> to vector<1x1024x1xf32>
    tpu.vector_store %arg4[%swap3A_74, %swap3A_75, %swap3A_76], %swap3A_79 {strides = array<i32>} : memref<1x1024x16xf32, #tpu.memory_space<vmem>>, vector<1x1024x1xf32>,
    %slice3A_80 = vector.extract_strided_slice %select_n3A {offsets = [0, 896], sizes = [1024, 128], strides = [1, 1]} : vector<1024x2048xf32> to vector<1024x128xf32>
    %reduce_max3A_81 = arith.constant dense<0xFF800000> : vector<1024xf32>
    %reduce_max3A_82 = vector.multi_reduction <maximumf>, %slice3A_80, %reduce_max3A_81 [1] : vector<1024x128xf32> to vector<1024xf32>
    %broadcast_in_dim3A_83 = vector.shape_cast %reduce_max3A_82 : vector<1024xf32> to vector<1024x1xf32>
    %swap3A_84 = arith.constant 0 : index
    %swap3A_85 = arith.constant 0 : index
    %swap3A_86 = arith.constant 7 : index
    %swap3A_87 = vector.load %arg4[%swap3A_84, %swap3A_85, %swap3A_86] : memref<1x1024x16xf32, #tpu.memory_space<vmem>>, vector<1x1024x1xf32>
    %swap3A_88 = vector.shape_cast %swap3A_87 : vector<1x1024x1xf32> to vector<1024x1xf32>
    %swap3A_89 = vector.shape_cast %broadcast_in_dim3A_83 : vector<1024x1xf32> to vector<1x1024x1xf32>
    tpu.vector_store %arg4[%swap3A_84, %swap3A_85, %swap3A_86], %swap3A_89 {strides = array<i32>} : memref<1x1024x16xf32, #tpu.memory_space<vmem>>, vector<1x1024x1xf32>,
    %slice3A_90 = vector.extract_strided_slice %select_n3A {offsets = [0, 1024], sizes = [1024, 128], strides = [1, 1]} : vector<1024x2048xf32> to vector<1024x128xf32>
    %reduce_max3A_91 = arith.constant dense<0xFF800000> : vector<1024xf32>
    %reduce_max3A_92 = vector.multi_reduction <maximumf>, %slice3A_90, %reduce_max3A_91 [1] : vector<1024x128xf32> to vector<1024xf32>
    %broadcast_in_dim3A_93 = vector.shape_cast %reduce_max3A_92 : vector<1024xf32> to vector<1024x1xf32>
    %swap3A_94 = arith.constant 0 : index
    %swap3A_95 = arith.constant 0 : index
    %swap3A_96 = arith.constant 8 : index
    %swap3A_97 = vector.load %arg4[%swap3A_94, %swap3A_95, %swap3A_96] : memref<1x1024x16xf32, #tpu.memory_space<vmem>>, vector<1x1024x1xf32>
    %swap3A_98 = vector.shape_cast %swap3A_97 : vector<1x1024x1xf32> to vector<1024x1xf32>
    %swap3A_99 = vector.shape_cast %broadcast_in_dim3A_93 : vector<1024x1xf32> to vector<1x1024x1xf32>
    tpu.vector_store %arg4[%swap3A_94, %swap3A_95, %swap3A_96], %swap3A_99 {strides = array<i32>} : memref<1x1024x16xf32, #tpu.memory_space<vmem>>, vector<1x1024x1xf32>,
    %slice3A_100 = vector.extract_strided_slice %select_n3A {offsets = [0, 1152], sizes = [1024, 128], strides = [1, 1]} : vector<1024x2048xf32> to vector<1024x128xf32>
    %reduce_max3A_101 = arith.constant dense<0xFF800000> : vector<1024xf32>
    %reduce_max3A_102 = vector.multi_reduction <maximumf>, %slice3A_100, %reduce_max3A_101 [1] : vector<1024x128xf32> to vector<1024xf32>
    %broadcast_in_dim3A_103 = vector.shape_cast %reduce_max3A_102 : vector<1024xf32> to vector<1024x1xf32>
    %swap3A_104 = arith.constant 0 : index
    %swap3A_105 = arith.constant 0 : index
    %swap3A_106 = arith.constant 9 : index
    %swap3A_107 = vector.load %arg4[%swap3A_104, %swap3A_105, %swap3A_106] : memref<1x1024x16xf32, #tpu.memory_space<vmem>>, vector<1x1024x1xf32>
    %swap3A_108 = vector.shape_cast %swap3A_107 : vector<1x1024x1xf32> to vector<1024x1xf32>
    %swap3A_109 = vector.shape_cast %broadcast_in_dim3A_103 : vector<1024x1xf32> to vector<1x1024x1xf32>
    tpu.vector_store %arg4[%swap3A_104, %swap3A_105, %swap3A_106], %swap3A_109 {strides = array<i32>} : memref<1x1024x16xf32, #tpu.memory_space<vmem>>, vector<1x1024x1xf32>,
    %slice3A_110 = vector.extract_strided_slice %select_n3A {offsets = [0, 1280], sizes = [1024, 128], strides = [1, 1]} : vector<1024x2048xf32> to vector<1024x128xf32>
    %reduce_max3A_111 = arith.constant dense<0xFF800000> : vector<1024xf32>
    %reduce_max3A_112 = vector.multi_reduction <maximumf>, %slice3A_110, %reduce_max3A_111 [1] : vector<1024x128xf32> to vector<1024xf32>
    %broadcast_in_dim3A_113 = vector.shape_cast %reduce_max3A_112 : vector<1024xf32> to vector<1024x1xf32>
    %swap3A_114 = arith.constant 0 : index
    %swap3A_115 = arith.constant 0 : index
    %swap3A_116 = arith.constant 10 : index
    %swap3A_117 = vector.load %arg4[%swap3A_114, %swap3A_115, %swap3A_116] : memref<1x1024x16xf32, #tpu.memory_space<vmem>>, vector<1x1024x1xf32>
    %swap3A_118 = vector.shape_cast %swap3A_117 : vector<1x1024x1xf32> to vector<1024x1xf32>
    %swap3A_119 = vector.shape_cast %broadcast_in_dim3A_113 : vector<1024x1xf32> to vector<1x1024x1xf32>
    tpu.vector_store %arg4[%swap3A_114, %swap3A_115, %swap3A_116], %swap3A_119 {strides = array<i32>} : memref<1x1024x16xf32, #tpu.memory_space<vmem>>, vector<1x1024x1xf32>,
    %slice3A_120 = vector.extract_strided_slice %select_n3A {offsets = [0, 1408], sizes = [1024, 128], strides = [1, 1]} : vector<1024x2048xf32> to vector<1024x128xf32>
    %reduce_max3A_121 = arith.constant dense<0xFF800000> : vector<1024xf32>
    %reduce_max3A_122 = vector.multi_reduction <maximumf>, %slice3A_120, %reduce_max3A_121 [1] : vector<1024x128xf32> to vector<1024xf32>
    %broadcast_in_dim3A_123 = vector.shape_cast %reduce_max3A_122 : vector<1024xf32> to vector<1024x1xf32>
    %swap3A_124 = arith.constant 0 : index
    %swap3A_125 = arith.constant 0 : index
    %swap3A_126 = arith.constant 11 : index
    %swap3A_127 = vector.load %arg4[%swap3A_124, %swap3A_125, %swap3A_126] : memref<1x1024x16xf32, #tpu.memory_space<vmem>>, vector<1x1024x1xf32>
    %swap3A_128 = vector.shape_cast %swap3A_127 : vector<1x1024x1xf32> to vector<1024x1xf32>
    %swap3A_129 = vector.shape_cast %broadcast_in_dim3A_123 : vector<1024x1xf32> to vector<1x1024x1xf32>
    tpu.vector_store %arg4[%swap3A_124, %swap3A_125, %swap3A_126], %swap3A_129 {strides = array<i32>} : memref<1x1024x16xf32, #tpu.memory_space<vmem>>, vector<1x1024x1xf32>,
    %slice3A_130 = vector.extract_strided_slice %select_n3A {offsets = [0, 1536], sizes = [1024, 128], strides = [1, 1]} : vector<1024x2048xf32> to vector<1024x128xf32>
    %reduce_max3A_131 = arith.constant dense<0xFF800000> : vector<1024xf32>
    %reduce_max3A_132 = vector.multi_reduction <maximumf>, %slice3A_130, %reduce_max3A_131 [1] : vector<1024x128xf32> to vector<1024xf32>
    %broadcast_in_dim3A_133 = vector.shape_cast %reduce_max3A_132 : vector<1024xf32> to vector<1024x1xf32>
    %swap3A_134 = arith.constant 0 : index
    %swap3A_135 = arith.constant 0 : index
    %swap3A_136 = arith.constant 12 : index
    %swap3A_137 = vector.load %arg4[%swap3A_134, %swap3A_135, %swap3A_136] : memref<1x1024x16xf32, #tpu.memory_space<vmem>>, vector<1x1024x1xf32>
    %swap3A_138 = vector.shape_cast %swap3A_137 : vector<1x1024x1xf32> to vector<1024x1xf32>
    %swap3A_139 = vector.shape_cast %broadcast_in_dim3A_133 : vector<1024x1xf32> to vector<1x1024x1xf32>
    tpu.vector_store %arg4[%swap3A_134, %swap3A_135, %swap3A_136], %swap3A_139 {strides = array<i32>} : memref<1x1024x16xf32, #tpu.memory_space<vmem>>, vector<1x1024x1xf32>,
    %slice3A_140 = vector.extract_strided_slice %select_n3A {offsets = [0, 1664], sizes = [1024, 128], strides = [1, 1]} : vector<1024x2048xf32> to vector<1024x128xf32>
    %reduce_max3A_141 = arith.constant dense<0xFF800000> : vector<1024xf32>
    %reduce_max3A_142 = vector.multi_reduction <maximumf>, %slice3A_140, %reduce_max3A_141 [1] : vector<1024x128xf32> to vector<1024xf32>
    %broadcast_in_dim3A_143 = vector.shape_cast %reduce_max3A_142 : vector<1024xf32> to vector<1024x1xf32>
    %swap3A_144 = arith.constant 0 : index
    %swap3A_145 = arith.constant 0 : index
    %swap3A_146 = arith.constant 13 : index
    %swap3A_147 = vector.load %arg4[%swap3A_144, %swap3A_145, %swap3A_146] : memref<1x1024x16xf32, #tpu.memory_space<vmem>>, vector<1x1024x1xf32>
    %swap3A_148 = vector.shape_cast %swap3A_147 : vector<1x1024x1xf32> to vector<1024x1xf32>
    %swap3A_149 = vector.shape_cast %broadcast_in_dim3A_143 : vector<1024x1xf32> to vector<1x1024x1xf32>
    tpu.vector_store %arg4[%swap3A_144, %swap3A_145, %swap3A_146], %swap3A_149 {strides = array<i32>} : memref<1x1024x16xf32, #tpu.memory_space<vmem>>, vector<1x1024x1xf32>,
    %slice3A_150 = vector.extract_strided_slice %select_n3A {offsets = [0, 1792], sizes = [1024, 128], strides = [1, 1]} : vector<1024x2048xf32> to vector<1024x128xf32>
    %reduce_max3A_151 = arith.constant dense<0xFF800000> : vector<1024xf32>
    %reduce_max3A_152 = vector.multi_reduction <maximumf>, %slice3A_150, %reduce_max3A_151 [1] : vector<1024x128xf32> to vector<1024xf32>
    %broadcast_in_dim3A_153 = vector.shape_cast %reduce_max3A_152 : vector<1024xf32> to vector<1024x1xf32>
    %swap3A_154 = arith.constant 0 : index
    %swap3A_155 = arith.constant 0 : index
    %swap3A_156 = arith.constant 14 : index
    %swap3A_157 = vector.load %arg4[%swap3A_154, %swap3A_155, %swap3A_156] : memref<1x1024x16xf32, #tpu.memory_space<vmem>>, vector<1x1024x1xf32>
    %swap3A_158 = vector.shape_cast %swap3A_157 : vector<1x1024x1xf32> to vector<1024x1xf32>
    %swap3A_159 = vector.shape_cast %broadcast_in_dim3A_153 : vector<1024x1xf32> to vector<1x1024x1xf32>
    tpu.vector_store %arg4[%swap3A_154, %swap3A_155, %swap3A_156], %swap3A_159 {strides = array<i32>} : memref<1x1024x16xf32, #tpu.memory_space<vmem>>, vector<1x1024x1xf32>,
    %slice3A_160 = vector.extract_strided_slice %select_n3A {offsets = [0, 1920], sizes = [1024, 128], strides = [1, 1]} : vector<1024x2048xf32> to vector<1024x128xf32>
    %reduce_max3A_161 = arith.constant dense<0xFF800000> : vector<1024xf32>
    %reduce_max3A_162 = vector.multi_reduction <maximumf>, %slice3A_160, %reduce_max3A_161 [1] : vector<1024x128xf32> to vector<1024xf32>
    %broadcast_in_dim3A_163 = vector.shape_cast %reduce_max3A_162 : vector<1024xf32> to vector<1024x1xf32>
    %swap3A_164 = arith.constant 0 : index
    %swap3A_165 = arith.constant 0 : index
    %swap3A_166 = arith.constant 15 : index
    %swap3A_167 = vector.load %arg4[%swap3A_164, %swap3A_165, %swap3A_166] : memref<1x1024x16xf32, #tpu.memory_space<vmem>>, vector<1x1024x1xf32>
    %swap3A_168 = vector.shape_cast %swap3A_167 : vector<1x1024x1xf32> to vector<1024x1xf32>
    %swap3A_169 = vector.shape_cast %broadcast_in_dim3A_163 : vector<1024x1xf32> to vector<1x1024x1xf32>
    tpu.vector_store %arg4[%swap3A_164, %swap3A_165, %swap3A_166], %swap3A_169 {strides = array<i32>} : memref<1x1024x16xf32, #tpu.memory_space<vmem>>, vector<1x1024x1xf32>,
    return
  }
  func.func @transform_0(%arg0: i32) -> (i32, i32) {
    %c0_i32 = arith.constant 0 : i32
    %c0_i32_0 = arith.constant 0 : i32
    %c0_i32_1 = arith.constant 0 : i32
    return %c0_i32, %c0_i32_0 : i32, i32
  }
  func.func @transform_1(%arg0: i32) -> (i32, i32) {
    %c0_i32 = arith.constant 0 : i32
    %c0_i32_0 = arith.constant 0 : i32
    return %arg0, %c0_i32 : i32, i32
  }
  func.func @transform_2(%arg0: i32) -> (i32, i32) {
    %c0_i32 = arith.constant 0 : i32
    %c0_i32_0 = arith.constant 0 : i32
    return %c0_i32, %arg0 : i32, i32
  }
  func.func @transform_3(%arg0: i32) -> (i32, i32, i32) {
    %c0_i32 = arith.constant 0 : i32
    %c0_i32_0 = arith.constant 0 : i32
    %c0_i32_1 = arith.constant 0 : i32
    return %arg0, %c0_i32, %c0_i32_0 : i32, i32, i32
  }
}

module attributes {stable_mosaic.version = 14 : i64} {
  func.func @_k2_body(%arg0: memref<1024x784xf32, #tpu.memory_space<vmem>>, %arg1: memref<1024x1xf32, #tpu.memory_space<vmem>>) attributes {dimension_semantics = [], scalar_prefetch = 0 : i64, scratch_operands = 0 : i64, tpu.core_type = #tpu.core_type<tc>} {
    %get3A = arith.constant 0 : index
    %get3A_0 = arith.constant 0 : index
    %get3A_1 = vector.load %arg0[%get3A, %get3A_0] : memref<1024x784xf32, #tpu.memory_space<vmem>>, vector<1024x784xf32>
    %bitcast_convert_type3A = tpu.bitcast %get3A_1 : vector<1024x784xf32> -> vector<1024x784xi32>
    %ge3A = arith.constant 0 : i32
    %ge3A_2 = vector.broadcast %ge3A : i32 to vector<1024x784xi32>
    %ge3A_3 = arith.cmpi sge, %bitcast_convert_type3A, %ge3A_2 : vector<1024x784xi32>
    %sub3A = arith.constant -2147483648 : i32
    %sub3A_4 = vector.broadcast %sub3A : i32 to vector<1024x784xi32>
    %sub3A_5 = arith.subi %sub3A_4, %bitcast_convert_type3A : vector<1024x784xi32>
    %select_n3A = arith.select %ge3A_3, %bitcast_convert_type3A, %sub3A_5 : vector<1024x784xi1>, vector<1024x784xi32>
    %reduce_min3A = arith.constant dense<2147483647> : vector<1024xi32>
    %reduce_min3A_6 = vector.multi_reduction <minsi>, %select_n3A, %reduce_min3A [1] : vector<1024x784xi32> to vector<1024xi32>
    %broadcast_in_dim3A = vector.shape_cast %reduce_min3A_6 : vector<1024xi32> to vector<1024x1xi32>
    %reduce_max3A = arith.constant dense<-2147483648> : vector<1024xi32>
    %reduce_max3A_7 = vector.multi_reduction <maxsi>, %select_n3A, %reduce_max3A [1] : vector<1024x784xi32> to vector<1024xi32>
    %broadcast_in_dim3A_8 = vector.shape_cast %reduce_max3A_7 : vector<1024xi32> to vector<1024x1xi32>
    %add3A = arith.constant 1 : i32
    %add3A_9 = vector.broadcast %add3A : i32 to vector<1024x1xi32>
    %add3A_10 = arith.addi %broadcast_in_dim3A_8, %add3A_9 : vector<1024x1xi32>
    %scan3A = arith.constant 0 : i32
    %scan3A_11 = arith.constant 34 : i32
    %scan3A_12 = arith.addi %scan3A, %scan3A_11 : i32
    %scan3A_13 = arith.constant 1 : i32
    %scan3A_14:2 = scf.for %scan3A_25 = %scan3A to %scan3A_12 step %scan3A_13 iter_args(%scan3A_26 = %broadcast_in_dim3A, %scan3A_27 = %add3A_10) -> (vector<1024x1xi32>, vector<1024x1xi32>)  : i32 {
      %and3A = arith.andi %scan3A_26, %scan3A_27 : vector<1024x1xi32>
      %xor3A = arith.xori %scan3A_26, %scan3A_27 : vector<1024x1xi32>
      %shift_right_arithmetic3A = arith.constant 1 : i32
      %shift_right_arithmetic3A_28 = vector.broadcast %shift_right_arithmetic3A : i32 to vector<1024x1xi32>
      %shift_right_arithmetic3A_29 = arith.shrsi %xor3A, %shift_right_arithmetic3A_28 : vector<1024x1xi32>
      %add3A_30 = arith.addi %and3A, %shift_right_arithmetic3A_29 : vector<1024x1xi32>
      %ge3A_31 = vector.broadcast %add3A_30 : vector<1024x1xi32> to vector<1024x784xi32>
      %ge3A_32 = arith.cmpi sge, %select_n3A, %ge3A_31 : vector<1024x784xi32>
      %convert_element_type3A = arith.extui %ge3A_32 : vector<1024x784xi1> to vector<1024x784xi32>
      %reduce_sum3A = arith.constant dense<0> : vector<1024xi32>
      %reduce_sum3A_33 = vector.multi_reduction <add>, %convert_element_type3A, %reduce_sum3A [1] : vector<1024x784xi32> to vector<1024xi32>
      %broadcast_in_dim3A_34 = vector.shape_cast %reduce_sum3A_33 : vector<1024xi32> to vector<1024x1xi32>
      %ge3A_35 = arith.constant 100 : i32
      %ge3A_36 = vector.broadcast %ge3A_35 : i32 to vector<1024x1xi32>
      %ge3A_37 = arith.cmpi sge, %broadcast_in_dim3A_34, %ge3A_36 : vector<1024x1xi32>
      %select_n3A_38 = arith.select %ge3A_37, %add3A_30, %scan3A_26 : vector<1024x1xi1>, vector<1024x1xi32>
      %select_n3A_39 = arith.select %ge3A_37, %scan3A_27, %add3A_30 : vector<1024x1xi1>, vector<1024x1xi32>
      scf.yield %select_n3A_38, %select_n3A_39 : vector<1024x1xi32>, vector<1024x1xi32>
    }
    %ge3A_15 = arith.constant 0 : i32
    %ge3A_16 = vector.broadcast %ge3A_15 : i32 to vector<1024x1xi32>
    %ge3A_17 = arith.cmpi sge, %scan3A_14#0, %ge3A_16 : vector<1024x1xi32>
    %sub3A_18 = arith.constant -2147483648 : i32
    %sub3A_19 = vector.broadcast %sub3A_18 : i32 to vector<1024x1xi32>
    %sub3A_20 = arith.subi %sub3A_19, %scan3A_14#0 : vector<1024x1xi32>
    %select_n3A_21 = arith.select %ge3A_17, %scan3A_14#0, %sub3A_20 : vector<1024x1xi1>, vector<1024x1xi32>
    %bitcast_convert_type3A_22 = tpu.bitcast %select_n3A_21 : vector<1024x1xi32> -> vector<1024x1xf32>
    %swap3A = arith.constant 0 : index
    %swap3A_23 = arith.constant 0 : index
    %swap3A_24 = vector.load %arg1[%swap3A, %swap3A_23] : memref<1024x1xf32, #tpu.memory_space<vmem>>, vector<1024x1xf32>
    tpu.vector_store %arg1[%swap3A, %swap3A_23], %bitcast_convert_type3A_22 {strides = array<i32>} : memref<1024x1xf32, #tpu.memory_space<vmem>>, vector<1024x1xf32>,
    return
  }
}

module attributes {stable_mosaic.version = 14 : i64} {
  func.func @_k4_body(%arg0: memref<1024x256xf32, #tpu.memory_space<vmem>>, %arg1: memref<1024x256xi32, #tpu.memory_space<vmem>>, %arg2: memref<1024x100xf32, #tpu.memory_space<vmem>>, %arg3: memref<1024x256xf32, #tpu.memory_space<vmem>>) attributes {dimension_semantics = [], scalar_prefetch = 0 : i64, scratch_operands = 1 : i64, tpu.core_type = #tpu.core_type<tc>} {
    %get3A = arith.constant 0 : index
    %get3A_0 = arith.constant 0 : index
    %get3A_1 = vector.load %arg0[%get3A, %get3A_0] : memref<1024x256xf32, #tpu.memory_space<vmem>>, vector<1024x256xf32>
    %swap3A = arith.constant 0 : index
    %swap3A_2 = arith.constant 0 : index
    %swap3A_3 = vector.load %arg3[%swap3A, %swap3A_2] : memref<1024x256xf32, #tpu.memory_space<vmem>>, vector<1024x256xf32>
    tpu.vector_store %arg3[%swap3A, %swap3A_2], %get3A_1 {strides = array<i32>} : memref<1024x256xf32, #tpu.memory_space<vmem>>, vector<1024x256xf32>,
    %get3A_4 = arith.constant 0 : index
    %get3A_5 = arith.constant 0 : index
    %get3A_6 = vector.load %arg1[%get3A_4, %get3A_5] : memref<1024x256xi32, #tpu.memory_space<vmem>>, vector<1024x256xi32>
    %iota3A = tpu.iota {dimensions = array<i32: 1>} : vector<1024x128xi32>
    %broadcast_in_dim3A = arith.constant 0.000000e+00 : f32
    %broadcast_in_dim3A_7 = vector.broadcast %broadcast_in_dim3A : f32 to vector<1024x128xf32>
    %scan3A = arith.constant 0 : i32
    %scan3A_8 = arith.constant 100 : i32
    %scan3A_9 = arith.addi %scan3A, %scan3A_8 : i32
    %scan3A_10 = arith.constant 1 : i32
    %scan3A_11 = scf.for %scan3A_16 = %scan3A to %scan3A_9 step %scan3A_10 iter_args(%scan3A_17 = %broadcast_in_dim3A_7) -> (vector<1024x128xf32>)  : i32 {
      %get3A_18 = arith.constant 0 : index
      %get3A_19 = arith.constant 0 : index
      %get3A_20 = vector.load %arg3[%get3A_18, %get3A_19] : memref<1024x256xf32, #tpu.memory_space<vmem>>, vector<1024x256xf32>
      %reduce_max3A = arith.constant dense<0xFF800000> : vector<1024xf32>
      %reduce_max3A_21 = vector.multi_reduction <maximumf>, %get3A_20, %reduce_max3A [1] : vector<1024x256xf32> to vector<1024xf32>
      %broadcast_in_dim3A_22 = vector.shape_cast %reduce_max3A_21 : vector<1024xf32> to vector<1024x1xf32>
      %eq3A = vector.broadcast %broadcast_in_dim3A_22 : vector<1024x1xf32> to vector<1024x256xf32>
      %eq3A_23 = arith.cmpf oeq, %get3A_20, %eq3A : vector<1024x256xf32>
      %jit3A = arith.constant 1073741824 : i32
      %broadcast_in_dim3A_24 = vector.broadcast %jit3A : i32 to vector<1024x256xi32>
      %select_n3A = arith.select %eq3A_23, %get3A_6, %broadcast_in_dim3A_24 : vector<1024x256xi1>, vector<1024x256xi32>
      %reduce_min3A = arith.constant dense<2147483647> : vector<1024xi32>
      %reduce_min3A_25 = vector.multi_reduction <minsi>, %select_n3A, %reduce_min3A [1] : vector<1024x256xi32> to vector<1024xi32>
      %broadcast_in_dim3A_26 = vector.shape_cast %reduce_min3A_25 : vector<1024xi32> to vector<1024x1xi32>
      %eq3A_27 = vector.broadcast %scan3A_16 : i32 to vector<1024x128xi32>
      %eq3A_28 = arith.cmpi eq, %iota3A, %eq3A_27 : vector<1024x128xi32>
      %convert_element_type3A = arith.sitofp %broadcast_in_dim3A_26 : vector<1024x1xi32> to vector<1024x1xf32>
      %broadcast_in_dim3A_29 = vector.shape_cast %convert_element_type3A : vector<1024x1xf32> to vector<1024x1xf32>
      %broadcast_in_dim3A_30 = vector.broadcast %broadcast_in_dim3A_29 : vector<1024x1xf32> to vector<1024x128xf32>
      %select_n3A_31 = arith.select %eq3A_28, %broadcast_in_dim3A_30, %scan3A_17 : vector<1024x128xi1>, vector<1024x128xf32>
      %eq3A_32 = vector.broadcast %broadcast_in_dim3A_22 : vector<1024x1xf32> to vector<1024x256xf32>
      %eq3A_33 = arith.cmpf oeq, %get3A_20, %eq3A_32 : vector<1024x256xf32>
      %eq3A_34 = vector.broadcast %broadcast_in_dim3A_26 : vector<1024x1xi32> to vector<1024x256xi32>
      %eq3A_35 = arith.cmpi eq, %get3A_6, %eq3A_34 : vector<1024x256xi32>
      %and3A = arith.andi %eq3A_33, %eq3A_35 : vector<1024x256xi1>
      %jit3A_36 = arith.constant -3.000000e+38 : f32
      %broadcast_in_dim3A_37 = vector.broadcast %jit3A_36 : f32 to vector<1024x256xf32>
      %select_n3A_38 = arith.select %and3A, %broadcast_in_dim3A_37, %get3A_20 : vector<1024x256xi1>, vector<1024x256xf32>
      %swap3A_39 = arith.constant 0 : index
      %swap3A_40 = arith.constant 0 : index
      %swap3A_41 = vector.load %arg3[%swap3A_39, %swap3A_40] : memref<1024x256xf32, #tpu.memory_space<vmem>>, vector<1024x256xf32>
      tpu.vector_store %arg3[%swap3A_39, %swap3A_40], %select_n3A_38 {strides = array<i32>} : memref<1024x256xf32, #tpu.memory_space<vmem>>, vector<1024x256xf32>,
      scf.yield %select_n3A_31 : vector<1024x128xf32>
    }
    %scan3A_12 = arith.constant 100 : i32
    %slice3A = vector.extract_strided_slice %scan3A_11 {offsets = [0, 0], sizes = [1024, 100], strides = [1, 1]} : vector<1024x128xf32> to vector<1024x100xf32>
    %swap3A_13 = arith.constant 0 : index
    %swap3A_14 = arith.constant 0 : index
    %swap3A_15 = vector.load %arg2[%swap3A_13, %swap3A_14] : memref<1024x100xf32, #tpu.memory_space<vmem>>, vector<1024x100xf32>
    tpu.vector_store %arg2[%swap3A_13, %swap3A_14], %slice3A {strides = array<i32>} : memref<1024x100xf32, #tpu.memory_space<vmem>>, vector<1024x100xf32>,
    return
  }
}

</mosaic_0001>

<sc_bundles>
// kernel: kernel.7.cloned.1.call-start
scs
__scs_entry_jumppad:
0x0: {  	(pc) =	sbr.rel $0x88, $3  }
0x1: {  	(tag) =	ssettag $0x0;
	lr =	simm.s32 $0x1  }
0x2: {  	[smem:$0x3F9F] =	sst lr;
	_ =	strace $0xD0000000  }
0x3: {  	_ = 	snop  }
0x4: {  	_ = 	snop  }
0x5: {  	_ = 	snop  }
0x6: {  	_ = 	snop  }
0x7: {  	_ = 	snop  }
__scs_overlays_trampoline_lowered:
0x8: {  	[smem:$0x3FAE] =	sst s0  }
0x9: {  	[smem:$0x3FAF] =	sst s1  }
0xa: {  	[smem:$0x3FB0] =	sst s2  }
0xb: {  	[smem:$0x3FB1] =	sst s3  }
0xc: {  	[smem:$0x3FB2] =	sst s4  }
0xd: {  	[smem:$0x3FB3] =	sst s5  }
0xe: {  	[smem:$0x3FB4] =	sst s6  }
0xf: {  	[smem:$0x3FB5] =	sst s7  }
0x10: {  	[smem:$0x3FB6] =	sst s8  }
0x11: {  	[smem:$0x3FB7] =	sst s9;
	s0 =	simm.s32 @!p0 $0x0  }
0x12: {  	s1 =	sld [smem:$0x3F9D];
	s0 =	simm.s32 @p0 $0x1  }
0x13: {  	[smem:$0x3FB8] =	sst s0;
	s0 =	simm.s32 @!p1 $0x0  }
0x14: {  	s2 =	sld [smem:$0x3F9C];
	s0 =	simm.s32 @p1 $0x1  }
0x15: {  	[smem:$0x3FB9] =	sst s0;
	s0 =	simm.s32 @!p2 $0x0  }
0x16: {  	s3 =	sld [smem:$0x3FDB];
	s0 =	simm.s32 @p2 $0x1  }
0x17: {  	s4 =	simm.s32 $0x1BF5;
	[smem:$0x3FBB] =	sst s0  }
0x18: {  	s0 =	sld [smem:$0x3F9E];
	_ =	swait.ge [sflag:s4], $0x0  }
0x19: {  	s7 =	sld [smem:$0x3F9F]  }
0x1a: {  	s8 =	sadd.s32 $0xFFFFE003, lr  }
0x1b: {  	s9 =	sadd.s32 $0xFFFFFEF7, lr;
	s5 =	simm.s32 $0xFFFFFFFF;
	p2 =	slt.u32 s8, $0xFFFFF086  }
0x1c: {  	p1 =	slt.u32 s9, $0xF7A;
	s5 =	simm.s32 @!p2 $0x0  }
0x1d: {  	s5 =	simm.s32 @p1 $0x1;
	p0 =	seq.s32 s7, s2  }
0x1e: {  	s7 =	smul.u32 @!p0 $0xF7A, s2;
	p2 =	seq.s32 @!p0 s5, $0x0  }
0x1f: {  	s9 =	smul.u32 $0xF7A, s1;
	s8 =	simm.s32 @!p0 $0x1BF5;
	p2 =	por !p2, p0  }
0x20: {  	[sflag:s8] =	ssyncset.s32 @!p0 $0xFFFFF086;
	s6 =	sadd.s32 @!p0 s3, s7;
	s7 =	simm.s32 @!p0 $0x108  }
0x21: {  	s3 =	sadd.s32 s3, s9;
	s6 =	sadd.s32 @!p0 $0x88, s6;
	s7 =	simm.s32 @p2 $0x1082  }
0x22: {  	[simem:s7], [sflag:s8] =	dma.local @!p0 [hbm:s6], $0xF7A  }
0x23: {  	s9 =	sor.u32 $0xD0000000, s2;
	s6 =	simm.s32 $0x108;
	_ =	swait.ge @!p0 [sflag:s8], $0x0  }
0x24: {  	s3 =	sadd.s32 $0x88, s3;
	s6 =	simm.s32 @!p1 $0x1082;
	[sflag:s4] =	ssyncset.s32 $0xFFFFF086  }
0x25: {  	[simem:s6], [sflag:s4] =	dma.local [hbm:s3], $0xF7A  }
0x26: {  	[smem:$0x3F9F] =	sst s1;
	(tag) =	ssettag s2;
	_ =	strace s9  }
0x27: {  	s1 =	sld [smem:$0x3FAF]  }
0x28: {  	s2 =	sld [smem:$0x3FB0]  }
0x29: {  	s4 =	sld [smem:$0x3FB2]  }
0x2a: {  	p0 =	seq.s32 s5, $0x0;
	s5 =	sld [smem:$0x3FB3]  }
0x2b: {  	s6 =	sld [smem:$0x3FB4]  }
0x2c: {  	s7 =	sld [smem:$0x3FB5]  }
0x2d: {  	s3 =	simm.s32 $0x108;
	s8 =	sld [smem:$0x3FB6]  }
0x2e: {  	s3 =	simm.s32 @!p0 $0x1082;
	s9 =	sld [smem:$0x3FB7]  }
0x2f: {  	lr =	sadd.s32 s0, s3;
	s0 =	sld [smem:$0x3FAE]  }
0x30: {  	s3 =	sld [smem:$0x3FB1]  }
0x31: {  	[smem:$0x3FBA] =	sst s10  }
0x32: {  	s10 =	sld [smem:$0x3FB8];
	_ =	sdelay $0x3  }
0x33: {  	p0 =	seq.s32 s10, $0x1;
	s10 =	sld [smem:$0x3FBA];
	_ =	sdelay $0x3  }
0x34: {  	[smem:$0x3FBA] =	sst s10  }
0x35: {  	s10 =	sld [smem:$0x3FB9];
	_ =	sdelay $0x3  }
0x36: {  	p1 =	seq.s32 s10, $0x1;
	s10 =	sld [smem:$0x3FBA];
	_ =	sdelay $0x3  }
0x37: {  	[smem:$0x3FBA] =	sst s10  }
0x38: {  	s10 =	sld [smem:$0x3FBB]  }
0x39: {  	_ = 	snop;
	(pc) =	sbr.ind lr, $3  }
0x3a: {  	_ = 	snop  }
0x3b: {  	_ = 	snop  }
0x3c: {  	p2 =	seq.s32 s10, $0x1;
	s10 =	sld [smem:$0x3FBA]  }
0x3d: {  	_ =	shalt  }
0x3e: {  	_ =	shalt  }
0x3f: {  	_ =	shalt  }
0x40: {  	_ =	shalt  }
0x41: {  	_ =	shalt  }
0x42: {  	_ =	shalt  }
0x43: {  	_ =	shalt  }
0x44: {  	_ =	shalt  }
0x45: {  	_ =	shalt  }
0x46: {  	_ =	shalt  }
0x47: {  	_ =	shalt  }
0x48: {  	_ =	shalt  }
0x49: {  	_ =	shalt  }
0x4a: {  	_ =	shalt  }
0x4b: {  	_ =	shalt  }
0x4c: {  	_ =	shalt  }
0x4d: {  	_ =	shalt  }
0x4e: {  	_ =	shalt  }
0x4f: {  	_ =	shalt  }
0x50: {  	_ =	shalt  }
0x51: {  	_ =	shalt  }
0x52: {  	_ =	shalt  }
0x53: {  	_ =	shalt  }
0x54: {  	_ =	shalt  }
0x55: {  	_ =	shalt  }
0x56: {  	_ =	shalt  }
0x57: {  	_ =	shalt  }
0x58: {  	_ =	shalt  }
0x59: {  	_ =	shalt  }
0x5a: {  	_ =	shalt  }
0x5b: {  	_ =	shalt  }
0x5c: {  	_ =	shalt  }
0x5d: {  	_ =	shalt  }
0x5e: {  	_ =	shalt  }
0x5f: {  	_ =	shalt  }
0x60: {  	_ =	shalt  }
0x61: {  	_ =	shalt  }
0x62: {  	_ =	shalt  }
0x63: {  	_ =	shalt  }
0x64: {  	_ =	shalt  }
0x65: {  	_ =	shalt  }
0x66: {  	_ =	shalt  }
0x67: {  	_ =	shalt  }
0x68: {  	_ =	shalt  }
0x69: {  	_ =	shalt  }
0x6a: {  	_ =	shalt  }
0x6b: {  	_ =	shalt  }
0x6c: {  	_ =	shalt  }
0x6d: {  	_ =	shalt  }
0x6e: {  	_ =	shalt  }
0x6f: {  	_ =	shalt  }
0x70: {  	_ =	shalt  }
0x71: {  	_ =	shalt  }
0x72: {  	_ =	shalt  }
0x73: {  	_ =	shalt  }
0x74: {  	_ =	shalt  }
0x75: {  	_ =	shalt  }
0x76: {  	_ =	shalt  }
0x77: {  	_ =	shalt  }
0x78: {  	_ =	shalt  }
0x79: {  	_ =	shalt  }
0x7a: {  	_ =	shalt  }
0x7b: {  	_ =	shalt  }
0x7c: {  	_ =	shalt  }
0x7d: {  	_ =	shalt  }
0x7e: {  	_ =	shalt  }
0x7f: {  	_ =	shalt  }
0x80: {  	_ =	shalt  }
0x81: {  	_ =	shalt  }
0x82: {  	_ =	shalt  }
0x83: {  	_ =	shalt  }
0x84: {  	_ =	shalt  }
0x85: {  	_ =	shalt  }
0x86: {  	_ =	shalt  }
0x87: {  	_ =	shalt  }
.Lfunc_end0:
.L_simem_size_0:
called_computation_lowered:
.L_overlay_start_0:
0x88: {  	s2 =	sld [smem:$0x3FD9]  }
0x89: {  	s3 =	sld [smem:$0x3FFE];
	_ =	sdelay $0x1  }
0x8a: {  	s1 =	srdreg.scid  }
0x8b: {  	s0 =	sand.u32 $0x1, s1  }
0x8c: {  	s17 =	sshll.u32 s0, $0xA;
	s2 =	sadd.s32 s3, s2  }
0x8d: {  	s2 =	sadd.s32 s2, s17  }
0x8e: {  	[smem:$0x3FC6] =	sst s2  }
0x8f: {  	_ = 	snop  }
0x90: {  	s2 =	sld [smem:$0x3FD0];
	(tm) =	ssettm $0x1  }
0x91: {  	s18 =	sld [smem:$0x3FFB];
	_ =	sdelay $0x3  }
0x92: {  	_ =	strace s18  }
0x93: {  	s3 =	sld [smem:$0x3FFC];
	_ =	sdelay $0x3  }
0x94: {  	_ =	strace s3  }
0x95: {  	s3 =	sld [smem:$0x3FFD];
	_ =	sdelay $0x3  }
0x96: {  	_ =	strace s3  }
0x97: {  	_ =	strace $0x8FFFFFFF  }
0x98: {  	s19 =	sld [smem:$0x3FDB];
	_ =	sdelay $0x1  }
0x99: {  	s4 =	simm.s32 $_scs_section_size  }
0x9a: {  	s5 =	simm.s32 $_size__tile_overlayer_lowered;
	s6 =	simm.s32 $_tile_overlayer_lowered  }
0x9b: {  	s22 =	simm.s32 $0x1BFF;
	s21 =	sshll.u32 s6, $0x1;
	s3 =	sadd.s32 s4, s19  }
0x9c: {  	s7 =	simm.s32 $0x0;
	s20 =	sshll.u32 s5, $0x1;
	s5 =	sadd.s32 s21, s3  }
0x9d: {  	[timem:s7], [sflag:s22] =	dma.local [hbm:s5], s20  }
0x9e: {  	_ =	swait.ge [sflag:s22], s20  }
0x9f: {  	s4 =	ssub.s32 $0x0, s20;
	[sflag:s22] =	ssyncset.done $0x0  }
0xa0: {  	[sflag:s22] =	ssyncadd.s32 s4;
	_ =	sdelay $0x1  }
0xa1: {  	s23 =	simm.s32 $0x1B8B  }
0xa2: {  	_ =	swait.ge [sflag:s23], $0x1  }
0xa3: {  	[sflag:s23] =	ssyncset.done $0x0  }
0xa4: {  	s25 =	simm.s32 $0x1B8E;
	s24 =	sld [smem:$0x3FFE];
	[sflag:s23] =	ssyncadd.s32 $0xFFFFFFFF  }
0xa5: {  	s26 =	simm.s32 $execute0_lowered;
	[smem:$0x3FD2] =	sst s25  }
0xa6: {  	s5 =	sshll.u32 s26, $0x1;
	_ =	strace $0x80000046;
	[dreg:$0x1] =	wrdreg $0xFFFFFFFF  }
0xa7: {  	s28 =	simm.s32 $_size_execute0_lowered;
	s3 =	sadd.s32 s3, s5;
	[dreg:$0x0] =	wrdreg $0x0  }
0xa8: {  	s5 =	sshll.u32 s28, $0x1;
	[dreg:$0x2] =	wrdreg s3  }
0xa9: {  	[dreg:$0x3] =	wrdreg s5  }
0xaa: {  	[dreg:$0x4] =	wrdreg $0xC0  }
0xab: {  	_ =	task [dreg:s7], $0x5FFFF  }
0xac: {  	[dreg:$0x1] =	wrdreg $0xFFFFFFFF  }
0xad: {  	[dreg:$0x0] =	wrdreg $0x60  }
0xae: {  	[dreg:$0x2] =	wrdreg s24  }
0xaf: {  	[dreg:$0x3] =	wrdreg s2  }
0xb0: {  	[dreg:$0x4] =	wrdreg $0x9  }
0xb1: {  	_ =	task.clear_ibuf [dreg:s7], $0x5FFFF;
	_ =	strace $0x90000046  }
0xb2: {  	s29 =	simm.s32 $0x9;
	_ =	strace $0x80000048  }
0xb3: {  	_ =	swait.ge [sflag:s29], $0x1  }
0xb4: {  	[sflag:s29] =	ssyncadd.s32 $0xFFFFFFFF  }
0xb5: {  	_ =	strace $0x90000048  }
0xb6: {  	_ =	sfence  }
0xb7: {  	s30 =	sld [smem:$0x0];
	_ =	sdelay $0x2  }
0xb8: {  	s31 =	sshll.u32 s1, $0xD;
	s1 =	sshrl.u32 s1, $0x2  }
0xb9: {  	s3 =	sand.u32 $0x4000, s31;
	s1 =	sadd.s32 s1, s30  }
0xba: {  	s0 =	sor.u32 s3, s0;
	s1 =	sshll.u32 s1, $0x11  }
0xbb: {  	s0 =	sor.u32 s1, s0  }
0xbc: {  	s0 =	sadd.s32 $0x8F2B, s0  }
0xbd: {  	[sflag:s0] =	ssyncadd.remote.s32 $0x1  }
0xbe: {  	_ =	sfence.sel $0xFFFF  }
0xbf: {  	[dreg:$0x0] =	wrdreg $0xFFFFFFFF;
	(pc) =	sbr.abs _section_cstart, $3  }
0xc0: {  	[dreg:$0x1] =	wrdreg $0xFFFFFFFF  }
0xc1: {  	_ =	task.clear_ibuf [dreg:s7], $0x2FFFF;
	_ =	strace $0x9FFFFFFF  }
0xc2: {  	(tm) =	ssettm $0x7FFFFFFF  }
0xc3: {  	_ =	shalt  }
tec
execute0_lowered:
.L_overlay_start_1:
0x0: {  	(tag) =	ssettag $0x1  }
0x1: {  	s4 =	rddreg [dreg:$0x0];
	s1 =	srdreg.scid  }
0x2: {  	s0 =	stileid.u32;
	s5 =	rddreg [dreg:$0x1];
	s2 =	simm.s32 $0x0  }
0x3: {  	s13 =	simm.s32 $0x80;
	s14 =	simm.s32 $0x6280;
	s15 =	simm.s32 $0x6300  }
0x4: {  	s16 =	simm.s32 $0x1;
	s17 =	simm.s32 $0xA300;
	s18 =	simm.s32 $0xC300  }
0x5: {  	s19 =	simm.s32 $0x0;
	s6 =	sand.u32 $0x1, s1;
	[smem:$0x7FF] =	sst s2  }
0x6: {  	s3 =	sshll.u32 s0, $0x1;
	s31 =	smul.u32 $0xC400, s0;
	_ =	strace $0x80000047  }
0x7: {  	s7 =	sor.u32 s6, s3;
	s3 =	sadd.s32 $0xF4F400, s4;
	s12 =	smul.u32 $0x6200, s6  }
0x8: {  	s9 =	ssub.s32 $0x2, s6;
	s8 =	smul.u32 $0xC40, s7;
	s10 =	sshll.u32 s7, $0xA  }
.Ltmp0:
0x9: {  	s11 =	sshrl.u32 s9, $0x1;
	s10 =	sadd.s32 s10, s4;
	(pc) =	sbr.rel .LBB2_1-.Ltmp0, $4  }
0xa: {  	s9 =	ssub.s32 s9, s11;
	s11 =	simm.s32 $0x6200;
	s8 =	sadd.s32 s8, s4  }
0xb: {  	s4 =	sshll.u32 s7, $0x5;
	s7 =	sshll.u32 s7, $0x2;
	s9 =	smax.u32 s9, $0x1  }
0xc: {  	s5 =	sadd.s32 s5, s7;
	s6 =	sadd.s32 $0xA00, s8;
	s7 =	sadd.s32 $0x19200, s10  }
0xd: {  	v0 =	vimm.f32 $-3.000000010e+38;
	v1 =	vimm.s32 $0x0;
	v2 =	vlaneseq.u32;
	s8 =	sadd.s32 $0x21200, s10;
	s10 =	sadd.s32 s12, s31;
	s12 =	simm.s32 $0x2  }
.LBB2_12:
0xe: {  	[hbm4b:s7+s2] =	stream.linear.scatter [tilespmem:s17], [sflag:$0x2], $0x2000, $0x38;
	[tilespmem:$0xE300] =	vst v63  }
0xf: {  	s19 =	sadd.s32 $0x1, s19;
	_ =	swait.ge [sflag:s12], $0x2000  }
0x10: {  	p0 =	sne.s32 s19, s9;
	[sflag:s12] =	ssyncset.done $0x0  }
.Ltmp1:
0x11: {  	[sflag:s12] =	ssyncadd.s32 $0xFFFFE000;
	(pc) =	sbr.rel @!p0 .LBB2_13-.Ltmp1, $4  }
0x12: {  	[hbm4b:s8+s2] =	stream.linear.scatter [tilespmem:s18], [sflag:$0x2], $0x2000, $0x38;
	[tilespmem:$0xE300] =	vst v63  }
0x13: {  	_ =	swait.ge [sflag:s12], $0x2000  }
0x14: {  	[sflag:s12] =	ssyncset.done $0x0  }
0x15: {  	[sflag:s12] =	ssyncadd.s32 $0xFFFFE000  }
.LBB2_1:
0x16: {  	[tilespmem:s11], [sflag:$0x2] =	stream.linear.gather [hbm4b:s5+s2], $0x20, $0x38;
	[tilespmem:$0xE300] =	vst v63  }
0x17: {  	_ =	swait.ge [sflag:s12], $0x20  }
0x18: {  	[sflag:s12] =	ssyncset.done $0x0  }
0x19: {  	[sflag:s12] =	ssyncadd.s32 $0xFFFFFFE0  }
0x1a: {  	[tilespmem:s2], [sflag:$0x2] =	stream.linear.gather [hbm4b:s6+s2], $0x6200, $0x38;
	[tilespmem:$0xE300] =	vst v63  }
0x1b: {  	_ =	swait.ge [sflag:s12], $0x6200  }
0x1c: {  	[sflag:s12] =	ssyncset.done $0x0  }
0x1d: {  	s20 =	simm.s32 $0x40;
	s21 =	simm.s32 $0x0;
	[sflag:s12] =	ssyncadd.s32 $0xFFFF9E00  }
.LBB2_2:
0x1e: {  	p0 =	sne.s32 s20, $0x7FC0;
	[tilespmem:s21+$0xA300] =	vst v0;
	s22 =	smov.u32 s20;
	s20 =	sadd.s32 $0x40, s20  }
.Ltmp2:
0x1f: {  	[tilespmem:s21+$0xC300] =	vst v1;
	(pc) =	sbr.rel @p0 .LBB2_2-.Ltmp2, $2  }
0x20: {  	_ =	sdelay $0x2  }
0x21: {  	s21 =	sshra.s32 s22, $0x2  }
.Ltmp3:
0x22: {  	(pc) =	sbr.rel .LBB2_4-.Ltmp3, $3  }
0x23: {  	_ =	sdelay $0x1  }
0x24: {  	[tilespmem:s21+$0xA300] =	vst v0  }
0x25: {  	s20 =	simm.s32 $0x0;
	[tilespmem:s21+$0xC300] =	vst v1;
	s21 =	smov.u32 s10;
	s22 =	simm.s32 $0x0  }
.LBB2_11:
0x26: {  	s22 =	sadd.s32 $0x1, s22  }
0x27: {  	p0 =	sne.s32 s22, $0x20  }
.Ltmp4:
0x28: {  	_ = 	snop;
	(pc) =	sbr.rel @!p0 .LBB2_12-.Ltmp4, $2  }
0x29: {  	_ =	sdelay $0x2  }
0x2a: {  	s20 =	sadd.s32 $0x310, s20;
	s21 =	sadd.s32 $0x310, s21  }
.LBB2_4:
0x2b: {  	v3 =	vmov s22  }
0x2c: {  	s23 =	sadd.s32 s4, s22  }
0x2d: {  	s23 =	smul.u32 $0x310, s23;
	_ =	sdelay $0x1  }
0x2e: {  	v4 =	vmov s23  }
0x2f: {  	v3 =	vld.idx.msk [tilespmem:v3+s11+$0x0], $0xffff;
	[tilespmem:$0x6280] =	vst v4  }
0x30: {  	[tilespmem:$0x6290] =	vst v4  }
0x31: {  	[tilespmem:$0x62A0] =	vst v4  }
0x32: {  	v5 =	vmov s20;
	[tilespmem:$0x62B0] =	vst v4  }
0x33: {  	[tilespmem:$0x62C0] =	vst v4  }
0x34: {  	[tilespmem:$0x62D0] =	vst v4  }
0x35: {  	[tilespmem:$0x62E0] =	vst v4  }
0x36: {  	s31 =	simm.s32 $0x0;
	[tilespmem:$0x62F0] =	vst v4  }
0x37: {  	v6 =	vld.idx.msk [tilespmem:v5+s31+$0x0 ss:$0x1], $0xffff;
	_ =	sdelay $0x4  }
0x38: {  	vm0 =	vge.f32 v6, v3  }
0x39: {  	v6 =	vmpcnt.ones.xlane vm0;
	_ =	sdelay $0x1  }
0x3a: {  	(v2sf) =	vpush v6, $0x0;
	_ =	sdelay $0x3  }
0x3b: {  	p0 =	por $0x1, $0x1;
	s23 =	simm.s32 $0x0  }
0x3c: {  	v7 =	vor.u32 s21, v2;
	s26 =	simm.s32 $0x10;
	s23 =	simm.s32 @!p0 $0x70  }
0x3d: {  	s25 =	simm.s32 $0x80;
	s24 =	simm.s32 $0x0;
	[tilespmem:s23+$0x6280] =	vst.msk vm0, v7;
	s23 =	smov.u32 s21  }
.LBB2_5:
0x3e: {  	p0 =	sne.s32 s25, $0xC00;
	v6 =	vld.idx.msk [tilespmem:v5+s26+$0x0 ss:$0x1], $0xffff;
	_ =	sdelay $0x5  }
0x3f: {  	vm0 =	vge.f32 v6, v3  }
0x40: {  	v6 =	vmpcnt.ones.xlane vm0  }
0x41: {  	s26 =	spop (v2sf)  }
0x42: {  	(v2sf) =	vpush v6, $0x0;
	s24 =	sadd.s32 s24, s26  }
0x43: {  	s23 =	sadd.s32 $0x10, s23;
	p1 =	slt.s32 s24, $0x70;
	s26 =	smov.u32 s24  }
.Ltmp5:
0x44: {  	v6 =	vor.u32 s23, v2;
	s26 =	simm.s32 @!p1 $0x70;
	(pc) =	sbr.rel @p0 .LBB2_5-.Ltmp5, $2  }
0x45: {  	[tilespmem:s26+$0x6280] =	vst.msk vm0, v6;
	_ =	sdelay $0x2  }
0x46: {  	s26 =	sshra.s32 s25, $0x2;
	s25 =	sadd.s32 $0x40, s25  }
0x47: {  	_ =	sdelay $0x3  }
0x48: {  	v5 =	vld.idx.msk [tilespmem:v5+s26+$0x0 ss:$0x1], $0xffff;
	_ =	sdelay $0x4  }
0x49: {  	vm0 =	vge.f32 v5, v3  }
0x4a: {  	v5 =	vmpcnt.ones.xlane vm0;
	_ =	sdelay $0x1  }
0x4b: {  	(v2sf) =	vpush v5, $0x0;
	_ =	sdelay $0xd  }
0x4c: {  	s25 =	spop (v2sf)  }
0x4d: {  	s23 =	sadd.s32 $0x10, s23;
	s24 =	sadd.s32 s24, s25;
	s31 =	spop (v2sf)  }
0x4e: {  	v5 =	vor.u32 s23, v2;
	p0 =	slt.s32 s24, $0x70;
	s25 =	smov.u32 s24;
	s23 =	sadd.s32 s24, s31  }
0x4f: {  	s25 =	simm.s32 @!p0 $0x70;
	p0 =	slt.s32 s23, $0x1  }
.Ltmp6:
0x50: {  	[tilespmem:s25+$0x6280] =	vst.msk vm0, v5;
	(pc) =	sbr.rel @p0 .LBB2_11-.Ltmp6, $4  }
0x51: {  	[tilespmem:s15], [sflag:$0x1] =	stream.indirect.gather [hbm4b:s3+s13], $0x80, s14, s13, $0xb8;
	[tilespmem:$0xE300] =	vst v63  }
0x52: {  	_ =	swait.ge [sflag:s16], $0x4000  }
0x53: {  	[sflag:s16] =	ssyncset.done $0x0  }
0x54: {  	[sflag:s16] =	ssyncadd.s32 $0xFFFFC000  }
0x55: {  	s23 =	smin.u32 s23, $0x80;
	s26 =	sshll.u32 s22, $0x8;
	s24 =	simm.s32 $0x0  }
0x56: {  	s25 =	simm.s32 $0x6300;
	s28 =	simm.s32 $0x0;
	v5 =	vmov s26;
	s26 =	simm.s32 $0x0  }
.LBB2_8:
0x57: {  	v7 =	vld [tilespmem:s25+$0x0]  }
0x58: {  	v6 =	vmov s26;
	_ =	sdelay $0x3  }
0x59: {  	vm0 =	vge.f32 v7, v3  }
0x5a: {  	v6 =	vld.idx.msk [tilespmem:v6+s14+$0x0], $0xffff;
	v8 =	vmpcnt.ones.xlane vm0;
	_ =	sdelay $0x1  }
0x5b: {  	(v2sf) =	vpush v8, $0x0;
	_ =	sdelay $0x2  }
0x5c: {  	v6 =	vsub.s32 v6, v4  }
0x5d: {  	p0 =	slt.s32 s28, $0xF0;
	s29 =	smov.u32 s28;
	v6 =	vshll.u32 v6, $0x7  }
0x5e: {  	s29 =	simm.s32 @!p0 $0xF0;
	v6 =	vor.u32 v2, v6  }
0x5f: {  	[tilespmem:v5+s29+$0xA300 ss:$0x1] =	vst.idx.msk vm0, v7;
	v7 =	vadd.s32 s24, v6  }
0x60: {  	s30 =	sadd.s32 $0x10, s25;
	[tilespmem:v5+s29+$0xC300 ss:$0x1] =	vst.idx.msk vm0, v7  }
0x61: {  	s31 =	simm.s32 $0x20;
	s29 =	simm.s32 $0x10;
	v7 =	vld [tilespmem:s30+$0x0]  }
.LBB2_9:
0x62: {  	p0 =	sne.s32 s31, $0x70;
	_ =	sdelay $0x3  }
0x63: {  	vm0 =	vge.f32 v7, v3  }
0x64: {  	v8 =	vmpcnt.ones.xlane vm0  }
0x65: {  	s1 =	spop (v2sf)  }
0x66: {  	(v2sf) =	vpush v8, $0x0;
	s28 =	sadd.s32 s28, s1  }
0x67: {  	p1 =	slt.s32 s28, $0xF0;
	s1 =	smov.u32 s28  }
0x68: {  	s1 =	simm.s32 @!p1 $0xF0  }
0x69: {  	v8 =	vadd.s32 s29, v6;
	s29 =	smov.u32 s31;
	[tilespmem:v5+s1+$0xA300 ss:$0x1] =	vst.idx.msk vm0, v7  }
.Ltmp7:
0x6a: {  	[tilespmem:v5+s1+$0xC300 ss:$0x1] =	vst.idx.msk vm0, v8;
	(pc) =	sbr.rel @p0 .LBB2_9-.Ltmp7, $3  }
0x6b: {  	_ =	sdelay $0x1  }
0x6c: {  	s30 =	sadd.s32 $0x10, s30  }
0x6d: {  	s31 =	sadd.s32 $0x10, s31;
	v7 =	vld [tilespmem:s30+$0x0]  }
0x6e: {  	_ =	sdelay $0x3  }
0x6f: {  	vm0 =	vge.f32 v7, v3  }
0x70: {  	v8 =	vmpcnt.ones.xlane vm0;
	_ =	sdelay $0x1  }
0x71: {  	(v2sf) =	vpush v8, $0x0;
	_ =	sdelay $0x7  }
0x72: {  	s1 =	spop (v2sf)  }
0x73: {  	s1 =	sadd.s32 s28, s1  }
0x74: {  	s26 =	sadd.s32 $0x1, s26;
	p0 =	slt.s32 s1, $0xF0;
	s28 =	smov.u32 s1  }
0x75: {  	s28 =	simm.s32 @!p0 $0xF0;
	p0 =	sne.s32 s26, s23  }
.Ltmp8:
0x76: {  	_ = 	snop;
	(pc) =	sbr.rel @p0 .LBB2_8-.Ltmp8, $4  }
.Ltmp9:
0x77: {  	_ = 	snop;
	(pc) =	sbr.rel @!p0 .LBB2_11-.Ltmp9, $4  }
0x78: {  	_ = 	snop  }
0x79: {  	v6 =	vadd.s32 s29, v6;
	[tilespmem:v5+s28+$0xA300 ss:$0x1] =	vst.idx.msk vm0, v7;
	s31 =	spop (v2sf)  }
0x7a: {  	s25 =	sadd.s32 $0x80, s25;
	[tilespmem:v5+s28+$0xC300 ss:$0x1] =	vst.idx.msk vm0, v6;
	s28 =	sadd.s32 s1, s31  }
0x7b: {  	_ = 	snop  }
.LBB2_13:
0x7c: {  	_ =	sfence.sel $0x180000  }
0x7d: {  	[bflag:$0x0] =	sbarrier.arrive $0xFFFF  }
0x7e: {  	_ =	strace $0x90000047  }
0x7f: {  	[bflag:$0x2] =	sbarrier.arrive $0xFFFF  }
0x80: {  	p0 =	sne.s32 s0, $0x0;
	s0 =	rddreg [dreg:$0x2]  }
0x81: {  	s0 =	sadd.s32 @!p0 $0x100000, s0  }
0x82: {  	[sflag:s0] =	ssyncadd.tile.s32 @!p0 $0x1;
	_ =	shalt  }
.Lfunc_end2:
_tile_overlayer_lowered:
.L_overlay_start_2:
0x83: {  	(tag) =	ssettag $0x2  }
0x84: {  	s0 =	rddreg [dreg:$0x0];
	s2 =	stileid.u32  }
0x85: {  	s1 =	rddreg [dreg:$0x1];
	p0 =	sne.s32 s2, $0x0  }
0x86: {  	s3 =	rddreg [dreg:$0x2];
	[bflag:$0x3] =	sbarrier.arrive $0xFFFF;
	s2 =	simm.s32 @!p0 $0x1C02  }
0x87: {  	[timem:s3], [sflag:s2] =	dma.local @!p0 [hbm:s0], s1  }
0x88: {  	s0 =	simm.s32 @!p0 $0x2  }
0x89: {  	_ =	swait.ge @!p0 [sflag:s0], s1  }
0x8a: {  	s1 =	ssub.s32 @!p0 $0x0, s1;
	[sflag:s0] =	ssyncset.done @!p0 $0x0  }
0x8b: {  	[sflag:s0] =	ssyncadd.s32 @!p0 s1  }
0x8c: {  	[bflag:$0x3] =	sbarrier.arrive $0xFFFF  }
0x8d: {  	_ =	shalt  }

</sc_bundles>
